<compile_context>
chip_gen: v7x
topology: tpu7x:2x2x1
jax: 0.10.2.dev20260603
libtpu: 0.0.44.dev20260713+nightly
codegen_flags: <defaults>
</compile_context>

<pallas_src>
import dataclasses
import functools

import jax
import jax.numpy as jnp
from jax import lax
from jax.experimental import pallas as pl
from jax.experimental.pallas import tpu as pltpu
from jax.experimental.pallas import tpu_sc as plsc

D = 128
CH = 128
NC = 2
NS = 16
L = 16
R = 1024


def _mesh():
    return plsc.VectorSubcoreMesh(core_axis_name="c", subcore_axis_name="s")


def _no_layout_params():
    cp = pltpu.CompilerParams()
    if "needs_layout_passes" in pltpu.CompilerParams.__dataclass_fields__:
        cp = dataclasses.replace(cp, needs_layout_passes=False)
    return cp


def _make_deg_kernel(e_pad, n_pad):
    edges_per_tile = e_pad // (NC * NS)
    chunks = edges_per_tile // CH
    hrows = n_pad // D
    wsub = hrows // 8

    @functools.partial(
        pl.kernel,
        out_type=jax.ShapeDtypeStruct((NC * hrows, D), jnp.float32),
        mesh=_mesh(),
        compiler_params=_no_layout_params(),
        scratch_types=[
            pltpu.VMEM((CH,), jnp.int32),
            pltpu.VMEM((hrows,), jnp.int32),
            pltpu.VMEM((hrows, D), jnp.float32),
            pltpu.VMEM_SHARED((hrows, D), jnp.float32),
            pltpu.SemaphoreType.DMA,
        ],
    )
    def deg_kernel(dst_hbm, lin_hbm, zeros_hbm, out_hbm,
                   didx, lin_v, hist, acc, sem):
        c = lax.axis_index("c")
        s = lax.axis_index("s")

        @pl.when(s == 0)
        def _():
            pltpu.sync_copy(zeros_hbm, acc)

        pltpu.sync_copy(lin_hbm, lin_v)
        pltpu.sync_copy(zeros_hbm, hist)
        plsc.subcore_barrier()

        base = (c * NS + s) * edges_per_tile
        ones16 = jnp.full((L,), 1.0, jnp.float32)

        @pl.loop(0, chunks)
        def _(j):
            pltpu.sync_copy(dst_hbm.at[pl.ds(base + j * CH, CH)], didx)
            for k in range(CH // L):
                v = didx[pl.ds(k * L, L)]
                row = lax.shift_right_logical(v, 7)
                col = lax.bitwise_and(v, 127)
                plsc.addupdate_scatter(hist, [row, col], ones16)

        pltpu.sync_copy(hist, acc.at[lin_v], add=True)
        plsc.subcore_barrier()

        @pl.when(s < wsub)
        def _():
            pltpu.sync_copy(
                acc.at[pl.ds(s * 8, 8)],
                out_hbm.at[pl.ds(c * hrows + s * 8, 8)],
            )

    return deg_kernel


def _make_agg_kernel(e_pad, n_pad):
    total_chunks = e_pad // CH
    chunks0 = (total_chunks * 58 // 100) // NS
    chunks1 = (total_chunks - chunks0 * NS) // NS
    assert (chunks0 + chunks1) * NS == total_chunks
    ept0 = chunks0 * CH
    ept1 = chunks1 * CH
    rows_per_sub = n_pad // NS

    @functools.partial(
        pl.kernel,
        out_type=jax.ShapeDtypeStruct((NC * n_pad, D), jnp.float32),
        mesh=_mesh(),
        scratch_types=[
            pltpu.VMEM((CH,), jnp.int32),
            pltpu.VMEM((CH,), jnp.int32),
            pltpu.VMEM((CH, D), jnp.float32),
            pltpu.VMEM_SHARED((n_pad, D), jnp.float32),
            pltpu.SemaphoreType.DMA,
        ],
    )
    def agg_kernel(src_hbm, dst_hbm, hs_hbm, zeros_hbm, out_hbm,
                   sidx, didx, rows, acc, sem):
        c = lax.axis_index("c")
        s = lax.axis_index("s")

        @pl.when(s == 0)
        def _():
            pltpu.sync_copy(zeros_hbm, acc)

        plsc.subcore_barrier()

        def run(base, nchunks):
            @pl.loop(0, nchunks)
            def _(j):
                off = base + j * CH
                pltpu.sync_copy(src_hbm.at[pl.ds(off, CH)], sidx)
                pltpu.sync_copy(dst_hbm.at[pl.ds(off, CH)], didx)
                pltpu.async_copy(hs_hbm.at[sidx], rows, sem).wait()
                pltpu.sync_copy(rows, acc.at[didx], add=True)

        @pl.when(c == 0)
        def _():
            run(s * ept0, chunks0)

        @pl.when(c == 1)
        def _():
            run(NS * ept0 + s * ept1, chunks1)

        plsc.subcore_barrier()
        pltpu.sync_copy(
            acc.at[pl.ds(s * rows_per_sub, rows_per_sub)],
            out_hbm.at[pl.ds(c * n_pad + s * rows_per_sub, rows_per_sub)],
        )

    return agg_kernel


def _dinv_block(deg_ref):
    d = deg_ref[0] + deg_ref[1] + 1.0
    dinv = lax.rsqrt(d)
    eye = (lax.broadcasted_iota(jnp.int32, (D, D), 0)
           == lax.broadcasted_iota(jnp.int32, (D, D), 1)).astype(jnp.float32)
    dt = lax.dot_general(eye, dinv, (((1,), (1,)), ((), ())),
                         precision=lax.Precision.HIGHEST,
                         preferred_element_type=jnp.float32)
    blks = [jnp.broadcast_to(dt[:, k:k + 1], (D, D))
            for k in range(R // D)]
    return jnp.concatenate(blks, axis=0)


def _matmul_body(x_ref, w_ref, o_ref):
    o_ref[...] = jnp.dot(x_ref[...], w_ref[...],
                         preferred_element_type=jnp.float32)


def _scale_body(deg_ref, h_ref, o_ref):
    o_ref[...] = h_ref[...] * _dinv_block(deg_ref)


def _mid_body(deg_ref, agg_ref, hs_ref, w_ref, b_ref, o_ref):
    dinv = _dinv_block(deg_ref)
    t = (agg_ref[0] + agg_ref[1] + hs_ref[...]) * dinv + b_ref[...]
    o_ref[...] = jnp.dot(t, w_ref[...],
                         preferred_element_type=jnp.float32) * dinv


def _final_body(deg_ref, agg_ref, hs_ref, b_ref, o_ref):
    o_ref[...] = (agg_ref[0] + agg_ref[1] + hs_ref[...]) * _dinv_block(deg_ref) \
        + b_ref[...]


def kernel(x, edge_index, W1, b1, W2, b2):
    N = x.shape[0]
    E = edge_index.shape[1]
    n_pad = ((N + R - 1) // R) * R
    group = NC * NS * CH
    e_pad = ((E + group - 1) // group) * group
    pad = e_pad - E
    hrows = n_pad // D

    src = jnp.concatenate([edge_index[0], jnp.zeros((pad,), jnp.int32)])
    dst = jnp.concatenate([edge_index[1], jnp.full((pad,), N, jnp.int32)])
    x_pad = jnp.pad(x, ((0, n_pad - N), (0, 0)))
    zeros_agg = jnp.zeros((n_pad, D), jnp.float32)
    zeros_deg = jnp.zeros((hrows, D), jnp.float32)
    lin = jnp.arange(hrows, dtype=jnp.int32)
    w1t = W1.T
    w2t = W2.T
    b1r = b1.reshape(1, D)
    b2r = b2.reshape(1, D)

    deg_kernel = _make_deg_kernel(e_pad, n_pad)
    agg_kernel = _make_agg_kernel(e_pad, n_pad)
    grid = (n_pad // R,)

    deg2 = deg_kernel(dst, lin, zeros_deg).reshape(NC, hrows, D)

    h1 = pl.pallas_call(
        _matmul_body,
        grid=grid,
        in_specs=[pl.BlockSpec((R, D), lambda i: (i, 0)),
                  pl.BlockSpec((D, D), lambda i: (0, 0))],
        out_specs=pl.BlockSpec((R, D), lambda i: (i, 0)),
        out_shape=jax.ShapeDtypeStruct((n_pad, D), jnp.float32),
    )(x_pad, w1t)

    row_spec = pl.BlockSpec((R, D), lambda i: (i, 0))
    agg_spec = pl.BlockSpec((NC, R, D), lambda i: (0, i, 0))
    deg_spec = pl.BlockSpec((NC, R // D, D), lambda i: (0, i, 0))
    b_spec = pl.BlockSpec((1, D), lambda i: (0, 0))
    w_spec = pl.BlockSpec((D, D), lambda i: (0, 0))

    hs1 = pl.pallas_call(
        _scale_body,
        grid=grid,
        in_specs=[deg_spec, row_spec],
        out_specs=row_spec,
        out_shape=jax.ShapeDtypeStruct((n_pad, D), jnp.float32),
    )(deg2, h1)

    agg1 = agg_kernel(src, dst, hs1, zeros_agg).reshape(NC, n_pad, D)

    hs2 = pl.pallas_call(
        _mid_body,
        grid=grid,
        in_specs=[deg_spec, agg_spec, row_spec, w_spec, b_spec],
        out_specs=row_spec,
        out_shape=jax.ShapeDtypeStruct((n_pad, D), jnp.float32),
    )(deg2, agg1, hs1, w2t, b1r)

    agg2 = agg_kernel(src, dst, hs2, zeros_agg).reshape(NC, n_pad, D)

    out = pl.pallas_call(
        _final_body,
        grid=grid,
        in_specs=[deg_spec, agg_spec, row_spec, b_spec],
        out_specs=row_spec,
        out_shape=jax.ShapeDtypeStruct((n_pad, D), jnp.float32),
    )(deg2, agg2, hs2, b2r)

    return out[:N]

# --- scband reference (transcript-rebuilt; emitter-appended) ---
"""Pipeline reference for scband-encoder-adversarial-gcn-21904333210049 (READ-ONLY COPY).

The authoritative reference and input builder live on the scoring server;
editing this copy changes nothing except your own understanding.
"""

import jax, jax.numpy as jnp
import numpy as np


def gcn_conv(x, edge_index, W, b):
    """Faithful PyG GCNConv: add self-loops, symmetric normalization, linear, scatter-add, bias."""
    N = x.shape[0]
    loop = jnp.arange(N, dtype=edge_index.dtype)
    src = jnp.concatenate([edge_index[0], loop])
    dst = jnp.concatenate([edge_index[1], loop])
    deg = jnp.zeros((N,), dtype=x.dtype).at[dst].add(1.0)
    dinv = jnp.where(deg > 0, 1.0 / jnp.sqrt(deg), 0.0)
    norm = dinv[src] * dinv[dst]
    h = x @ W.T
    msg = h[src] * norm[:, None]
    out = jax.ops.segment_sum(msg, dst, num_segments=N)
    return out + b


def setup_inputs(seed: int = 0) -> dict:
    key = jax.random.key(seed)
    k1, k2, k3, k4 = jax.random.split(key, 4)
    N, E, d_in, d_hid, d_out = 10000, 320000, 128, 128, 128
    x = jax.random.normal(k1, (N, d_in), dtype=jnp.float32)
    edge_index = jax.random.randint(k2, (2, E), 0, N, dtype=jnp.int32)
    W1 = jax.random.normal(k3, (d_hid, d_in), dtype=jnp.float32) * 0.05
    b1 = jnp.zeros((d_hid,), dtype=jnp.float32)
    W2 = jax.random.normal(k4, (d_out, d_hid), dtype=jnp.float32) * 0.05
    b2 = jnp.zeros((d_out,), dtype=jnp.float32)
    return {"x": x, "edge_index": edge_index, "W1": W1, "b1": b1, "W2": W2, "b2": b2}


def reference(x, edge_index, W1, b1, W2, b2):
    # forward() indexes self.model[0] and self.model[3], which are exactly the two
    # GCNConv layers (LayerNorm at index 1 and PReLU at index 2 are skipped).
    # perturb_first / perturb_last default to None.
    h = gcn_conv(x, edge_index, W1, b1)
    out = gcn_conv(h, edge_index, W2, b2)
    return out

if __name__ == "__main__":
    import jax
    _d = setup_inputs()
    print(jax.jit(kernel)(*tuple(_d.values())))

</pallas_src>

<mosaic_0001>
#map = affine_map<(d0, d1) -> (0)>
#map1 = affine_map<(d0, d1) -> (0, 0)>
module attributes {stable_mosaic.version = 14 : i64} {
  func.func @deg_kernel(%arg0: i32, %arg1: i32, %arg2: memref<323584xi32, #tpu.memory_space<hbm>>, %arg3: memref<80xi32, #tpu.memory_space<hbm>>, %arg4: memref<80x128xf32, #tpu.memory_space<hbm>>, %arg5: memref<160x128xf32, #tpu.memory_space<hbm>>, %arg6: memref<128xi32, #tpu.memory_space<vmem>>, %arg7: memref<80xi32, #tpu.memory_space<vmem>>, %arg8: memref<80x128xf32, #tpu.memory_space<vmem>>, %arg9: memref<80x128xf32, #tpu.memory_space<vmem_shared>>, %arg10: memref<!tpu.dma_semaphore, #tpu.memory_space<semaphore_mem>>) attributes {dimension_semantics = [#tpu.dimension_semantics<core_parallel>, #tpu.dimension_semantics<subcore_parallel>], iteration_bounds = array<i64: 2, 16>, scalar_prefetch = 0 : i64, scratch_operands = 5 : i64, tpu.core_type = #tpu.core_type<sc_vector_subcore>, window_params = [{transform_indices = #map}, {transform_indices = #map}, {transform_indices = #map1}, {transform_indices = #map1}]} {
    %eq3A = arith.constant 0 : i32
    %eq3A_0 = arith.cmpi eq, %arg1, %eq3A : i32
    %convert_element_type3A = arith.extui %eq3A_0 : i1 to i32
    %cond3A = arith.constant 0 : i32
    %cond3A_1 = arith.cmpi ne, %convert_element_type3A, %cond3A : i32
    scf.if %cond3A_1 {
      "tpu.region"() ({
        %run_scoped3A = tpu.sem_alloc : memref<!tpu.dma_semaphore, #tpu.memory_space<semaphore_mem>>
        tpu.enqueue_dma source(%arg4 : memref<80x128xf32, #tpu.memory_space<hbm>>) target(%arg9 : memref<80x128xf32, #tpu.memory_space<vmem_shared>>) target_semaphore(%run_scoped3A : memref<!tpu.dma_semaphore, #tpu.memory_space<semaphore_mem>>)
        tpu.wait_dma2 semaphore(%run_scoped3A : memref<!tpu.dma_semaphore, #tpu.memory_space<semaphore_mem>>) src(%arg4 : memref<80x128xf32, #tpu.memory_space<hbm>>) dst(%arg9 : memref<80x128xf32, #tpu.memory_space<vmem_shared>>)
        tpu.yield
      }) : () -> ()
    } else {
    }
    "tpu.region"() ({
      %run_scoped3A = tpu.sem_alloc : memref<!tpu.dma_semaphore, #tpu.memory_space<semaphore_mem>>
      tpu.enqueue_dma source(%arg3 : memref<80xi32, #tpu.memory_space<hbm>>) target(%arg7 : memref<80xi32, #tpu.memory_space<vmem>>) target_semaphore(%run_scoped3A : memref<!tpu.dma_semaphore, #tpu.memory_space<semaphore_mem>>)
      tpu.wait_dma2 semaphore(%run_scoped3A : memref<!tpu.dma_semaphore, #tpu.memory_space<semaphore_mem>>) src(%arg3 : memref<80xi32, #tpu.memory_space<hbm>>) dst(%arg7 : memref<80xi32, #tpu.memory_space<vmem>>)
      tpu.yield
    }) : () -> ()
    "tpu.region"() ({
      %run_scoped3A = tpu.sem_alloc : memref<!tpu.dma_semaphore, #tpu.memory_space<semaphore_mem>>
      tpu.enqueue_dma source(%arg4 : memref<80x128xf32, #tpu.memory_space<hbm>>) target(%arg8 : memref<80x128xf32, #tpu.memory_space<vmem>>) target_semaphore(%run_scoped3A : memref<!tpu.dma_semaphore, #tpu.memory_space<semaphore_mem>>)
      tpu.wait_dma2 semaphore(%run_scoped3A : memref<!tpu.dma_semaphore, #tpu.memory_space<semaphore_mem>>) src(%arg4 : memref<80x128xf32, #tpu.memory_space<hbm>>) dst(%arg8 : memref<80x128xf32, #tpu.memory_space<vmem>>)
      tpu.yield
    }) : () -> ()
    %barrier3A = arith.constant 0 : index
    tpu.barrier barrier_id(%barrier3A)
    %mul3A = arith.constant 16 : i32
    %mul3A_2 = arith.muli %arg0, %mul3A : i32
    %add3A = arith.addi %mul3A_2, %arg1 : i32
    %mul3A_3 = arith.constant 10112 : i32
    %mul3A_4 = arith.muli %add3A, %mul3A_3 : i32
    %broadcast_in_dim3A = arith.constant 1.000000e+00 : f32
    %broadcast_in_dim3A_5 = vector.broadcast %broadcast_in_dim3A : f32 to vector<16xf32>
    %scan3A = arith.constant 0 : i32
    %scan3A_6 = arith.constant 79 : i32
    %scan3A_7 = arith.addi %scan3A, %scan3A_6 : i32
    %scan3A_8 = arith.constant 1 : i32
    scf.for %scan3A_15 = %scan3A to %scan3A_7 step %scan3A_8  : i32 {
      %mul3A_16 = arith.constant 1 : i32
      %mul3A_17 = arith.muli %scan3A_15, %mul3A_16 : i32
      %add3A_18 = arith.constant 0 : i32
      %add3A_19 = arith.addi %add3A_18, %mul3A_17 : i32
      %mul3A_20 = arith.constant 128 : i32
      %mul3A_21 = arith.muli %add3A_19, %mul3A_20 : i32
      %add3A_22 = arith.addi %mul3A_4, %mul3A_21 : i32
      "tpu.region"() ({
        %run_scoped3A = tpu.sem_alloc : memref<!tpu.dma_semaphore, #tpu.memory_space<semaphore_mem>>
        %dma_start3A = tpu.memref_slice %arg2[%add3A_22] : memref<323584xi32, #tpu.memory_space<hbm>> -> memref<128xi32, #tpu.memory_space<hbm>>
        %dma_start3A_84 = tpu.memref_slice %arg2[%add3A_22] : memref<323584xi32, #tpu.memory_space<hbm>> -> memref<128xi32, #tpu.memory_space<hbm>>
        tpu.enqueue_dma source(%dma_start3A_84 : memref<128xi32, #tpu.memory_space<hbm>>) target(%arg6 : memref<128xi32, #tpu.memory_space<vmem>>) target_semaphore(%run_scoped3A : memref<!tpu.dma_semaphore, #tpu.memory_space<semaphore_mem>>)
        %dma_wait3A = tpu.memref_slice %arg2[%add3A_22] : memref<323584xi32, #tpu.memory_space<hbm>> -> memref<128xi32, #tpu.memory_space<hbm>>
        %dma_wait3A_85 = tpu.memref_slice %arg2[%add3A_22] : memref<323584xi32, #tpu.memory_space<hbm>> -> memref<128xi32, #tpu.memory_space<hbm>>
        tpu.wait_dma2 semaphore(%run_scoped3A : memref<!tpu.dma_semaphore, #tpu.memory_space<semaphore_mem>>) src(%dma_wait3A_85 : memref<128xi32, #tpu.memory_space<hbm>>) dst(%arg6 : memref<128xi32, #tpu.memory_space<vmem>>)
        tpu.yield
      }) : () -> ()
      %get3A = arith.constant 0 : index
      %get3A_23 = tpu.vector_load %arg6[%get3A] {strides = array<i32>} : memref<128xi32, #tpu.memory_space<vmem>>, vector<16xi32>,
      %shift_right_logical3A = arith.constant 7 : i32
      %shift_right_logical3A_24 = vector.broadcast %shift_right_logical3A : i32 to vector<16xi32>
      %shift_right_logical3A_25 = arith.shrui %get3A_23, %shift_right_logical3A_24 : vector<16xi32>
      %and3A = arith.constant 127 : i32
      %and3A_26 = vector.broadcast %and3A : i32 to vector<16xi32>
      %and3A_27 = arith.andi %get3A_23, %and3A_26 : vector<16xi32>
      tpu.vector_store_idx %arg8[%shift_right_logical3A_25, %and3A_27], %broadcast_in_dim3A_5 {add = true} : memref<80x128xf32, #tpu.memory_space<vmem>>[vector<16xi32>, vector<16xi32>], vector<16xf32>,
      %get3A_28 = arith.constant 16 : index
      %get3A_29 = tpu.vector_load %arg6[%get3A_28] {strides = array<i32>} : memref<128xi32, #tpu.memory_space<vmem>>, vector<16xi32>,
      %shift_right_logical3A_30 = arith.constant 7 : i32
      %shift_right_logical3A_31 = vector.broadcast %shift_right_logical3A_30 : i32 to vector<16xi32>
      %shift_right_logical3A_32 = arith.shrui %get3A_29, %shift_right_logical3A_31 : vector<16xi32>
      %and3A_33 = arith.constant 127 : i32
      %and3A_34 = vector.broadcast %and3A_33 : i32 to vector<16xi32>
      %and3A_35 = arith.andi %get3A_29, %and3A_34 : vector<16xi32>
      tpu.vector_store_idx %arg8[%shift_right_logical3A_32, %and3A_35], %broadcast_in_dim3A_5 {add = true} : memref<80x128xf32, #tpu.memory_space<vmem>>[vector<16xi32>, vector<16xi32>], vector<16xf32>,
      %get3A_36 = arith.constant 32 : index
      %get3A_37 = tpu.vector_load %arg6[%get3A_36] {strides = array<i32>} : memref<128xi32, #tpu.memory_space<vmem>>, vector<16xi32>,
      %shift_right_logical3A_38 = arith.constant 7 : i32
      %shift_right_logical3A_39 = vector.broadcast %shift_right_logical3A_38 : i32 to vector<16xi32>
      %shift_right_logical3A_40 = arith.shrui %get3A_37, %shift_right_logical3A_39 : vector<16xi32>
      %and3A_41 = arith.constant 127 : i32
      %and3A_42 = vector.broadcast %and3A_41 : i32 to vector<16xi32>
      %and3A_43 = arith.andi %get3A_37, %and3A_42 : vector<16xi32>
      tpu.vector_store_idx %arg8[%shift_right_logical3A_40, %and3A_43], %broadcast_in_dim3A_5 {add = true} : memref<80x128xf32, #tpu.memory_space<vmem>>[vector<16xi32>, vector<16xi32>], vector<16xf32>,
      %get3A_44 = arith.constant 48 : index
      %get3A_45 = tpu.vector_load %arg6[%get3A_44] {strides = array<i32>} : memref<128xi32, #tpu.memory_space<vmem>>, vector<16xi32>,
      %shift_right_logical3A_46 = arith.constant 7 : i32
      %shift_right_logical3A_47 = vector.broadcast %shift_right_logical3A_46 : i32 to vector<16xi32>
      %shift_right_logical3A_48 = arith.shrui %get3A_45, %shift_right_logical3A_47 : vector<16xi32>
      %and3A_49 = arith.constant 127 : i32
      %and3A_50 = vector.broadcast %and3A_49 : i32 to vector<16xi32>
      %and3A_51 = arith.andi %get3A_45, %and3A_50 : vector<16xi32>
      tpu.vector_store_idx %arg8[%shift_right_logical3A_48, %and3A_51], %broadcast_in_dim3A_5 {add = true} : memref<80x128xf32, #tpu.memory_space<vmem>>[vector<16xi32>, vector<16xi32>], vector<16xf32>,
      %get3A_52 = arith.constant 64 : index
      %get3A_53 = tpu.vector_load %arg6[%get3A_52] {strides = array<i32>} : memref<128xi32, #tpu.memory_space<vmem>>, vector<16xi32>,
      %shift_right_logical3A_54 = arith.constant 7 : i32
      %shift_right_logical3A_55 = vector.broadcast %shift_right_logical3A_54 : i32 to vector<16xi32>
      %shift_right_logical3A_56 = arith.shrui %get3A_53, %shift_right_logical3A_55 : vector<16xi32>
      %and3A_57 = arith.constant 127 : i32
      %and3A_58 = vector.broadcast %and3A_57 : i32 to vector<16xi32>
      %and3A_59 = arith.andi %get3A_53, %and3A_58 : vector<16xi32>
      tpu.vector_store_idx %arg8[%shift_right_logical3A_56, %and3A_59], %broadcast_in_dim3A_5 {add = true} : memref<80x128xf32, #tpu.memory_space<vmem>>[vector<16xi32>, vector<16xi32>], vector<16xf32>,
      %get3A_60 = arith.constant 80 : index
      %get3A_61 = tpu.vector_load %arg6[%get3A_60] {strides = array<i32>} : memref<128xi32, #tpu.memory_space<vmem>>, vector<16xi32>,
      %shift_right_logical3A_62 = arith.constant 7 : i32
      %shift_right_logical3A_63 = vector.broadcast %shift_right_logical3A_62 : i32 to vector<16xi32>
      %shift_right_logical3A_64 = arith.shrui %get3A_61, %shift_right_logical3A_63 : vector<16xi32>
      %and3A_65 = arith.constant 127 : i32
      %and3A_66 = vector.broadcast %and3A_65 : i32 to vector<16xi32>
      %and3A_67 = arith.andi %get3A_61, %and3A_66 : vector<16xi32>
      tpu.vector_store_idx %arg8[%shift_right_logical3A_64, %and3A_67], %broadcast_in_dim3A_5 {add = true} : memref<80x128xf32, #tpu.memory_space<vmem>>[vector<16xi32>, vector<16xi32>], vector<16xf32>,
      %get3A_68 = arith.constant 96 : index
      %get3A_69 = tpu.vector_load %arg6[%get3A_68] {strides = array<i32>} : memref<128xi32, #tpu.memory_space<vmem>>, vector<16xi32>,
      %shift_right_logical3A_70 = arith.constant 7 : i32
      %shift_right_logical3A_71 = vector.broadcast %shift_right_logical3A_70 : i32 to vector<16xi32>
      %shift_right_logical3A_72 = arith.shrui %get3A_69, %shift_right_logical3A_71 : vector<16xi32>
      %and3A_73 = arith.constant 127 : i32
      %and3A_74 = vector.broadcast %and3A_73 : i32 to vector<16xi32>
      %and3A_75 = arith.andi %get3A_69, %and3A_74 : vector<16xi32>
      tpu.vector_store_idx %arg8[%shift_right_logical3A_72, %and3A_75], %broadcast_in_dim3A_5 {add = true} : memref<80x128xf32, #tpu.memory_space<vmem>>[vector<16xi32>, vector<16xi32>], vector<16xf32>,
      %get3A_76 = arith.constant 112 : index
      %get3A_77 = tpu.vector_load %arg6[%get3A_76] {strides = array<i32>} : memref<128xi32, #tpu.memory_space<vmem>>, vector<16xi32>,
      %shift_right_logical3A_78 = arith.constant 7 : i32
      %shift_right_logical3A_79 = vector.broadcast %shift_right_logical3A_78 : i32 to vector<16xi32>
      %shift_right_logical3A_80 = arith.shrui %get3A_77, %shift_right_logical3A_79 : vector<16xi32>
      %and3A_81 = arith.constant 127 : i32
      %and3A_82 = vector.broadcast %and3A_81 : i32 to vector<16xi32>
      %and3A_83 = arith.andi %get3A_77, %and3A_82 : vector<16xi32>
      tpu.vector_store_idx %arg8[%shift_right_logical3A_80, %and3A_83], %broadcast_in_dim3A_5 {add = true} : memref<80x128xf32, #tpu.memory_space<vmem>>[vector<16xi32>, vector<16xi32>], vector<16xf32>,
    }
    %scan3A_9 = arith.constant 79 : i32
    "tpu.region"() ({
      %run_scoped3A = tpu.sem_alloc : memref<!tpu.dma_semaphore, #tpu.memory_space<semaphore_mem>>
      %dma_start3A = arith.constant 0 : i32
      %dma_start3A_15 = arith.constant 0 : i32
      %dma_start3A_16 = tpu.memref_slice %arg9[%dma_start3A, %dma_start3A_15] : memref<80x128xf32, #tpu.memory_space<vmem_shared>> -> memref<80x128xf32, #tpu.memory_space<vmem_shared>>
      tpu.enqueue_indirect_dma source(%arg8 : memref<80x128xf32, #tpu.memory_space<vmem>>) target(%dma_start3A_16 : memref<80x128xf32, #tpu.memory_space<vmem_shared>>) offsets(%arg7 : memref<80xi32, #tpu.memory_space<vmem>>) semaphore(%run_scoped3A : memref<!tpu.dma_semaphore, #tpu.memory_space<semaphore_mem>>) {add = true}
      %dma_wait3A = arith.constant 0 : i32
      %dma_wait3A_17 = arith.constant 0 : i32
      %dma_wait3A_18 = tpu.memref_slice %arg9[%dma_wait3A, %dma_wait3A_17] : memref<80x128xf32, #tpu.memory_space<vmem_shared>> -> memref<80x128xf32, #tpu.memory_space<vmem_shared>>
      tpu.wait_indirect_dma semaphore(%run_scoped3A : memref<!tpu.dma_semaphore, #tpu.memory_space<semaphore_mem>>) src(%arg8 : memref<80x128xf32, #tpu.memory_space<vmem>>) dst(%dma_wait3A_18 : memref<80x128xf32, #tpu.memory_space<vmem_shared>>)
      tpu.yield
    }) : () -> ()
    %barrier3A_10 = arith.constant 0 : index
    tpu.barrier barrier_id(%barrier3A_10)
    %lt3A = arith.constant 10 : i32
    %lt3A_11 = arith.cmpi slt, %arg1, %lt3A : i32
    %convert_element_type3A_12 = arith.extui %lt3A_11 : i1 to i32
    %cond3A_13 = arith.constant 0 : i32
    %cond3A_14 = arith.cmpi ne, %convert_element_type3A_12, %cond3A_13 : i32
    scf.if %cond3A_14 {
      %mul3A_15 = arith.constant 8 : i32
      %mul3A_16 = arith.muli %arg1, %mul3A_15 : i32
      %mul3A_17 = arith.constant 80 : i32
      %mul3A_18 = arith.muli %arg0, %mul3A_17 : i32
      %mul3A_19 = arith.constant 8 : i32
      %mul3A_20 = arith.muli %arg1, %mul3A_19 : i32
      %add3A_21 = arith.addi %mul3A_18, %mul3A_20 : i32
      "tpu.region"() ({
        %run_scoped3A = tpu.sem_alloc : memref<!tpu.dma_semaphore, #tpu.memory_space<semaphore_mem>>
        %dma_start3A = arith.constant 0 : i32
        %dma_start3A_22 = tpu.memref_slice %arg5[%add3A_21, %dma_start3A] : memref<160x128xf32, #tpu.memory_space<hbm>> -> memref<8x128xf32, #tpu.memory_space<hbm>>
        %dma_start3A_23 = arith.constant 0 : i32
        %dma_start3A_24 = tpu.memref_slice %arg9[%mul3A_16, %dma_start3A_23] : memref<80x128xf32, #tpu.memory_space<vmem_shared>> -> memref<8x128xf32, #tpu.memory_space<vmem_shared>>
        tpu.enqueue_dma source(%dma_start3A_24 : memref<8x128xf32, #tpu.memory_space<vmem_shared>>) target(%dma_start3A_22 : memref<8x128xf32, #tpu.memory_space<hbm>>) target_semaphore(%run_scoped3A : memref<!tpu.dma_semaphore, #tpu.memory_space<semaphore_mem>>)
        %dma_wait3A = arith.constant 0 : i32
        %dma_wait3A_25 = tpu.memref_slice %arg5[%add3A_21, %dma_wait3A] : memref<160x128xf32, #tpu.memory_space<hbm>> -> memref<8x128xf32, #tpu.memory_space<hbm>>
        %dma_wait3A_26 = arith.constant 0 : i32
        %dma_wait3A_27 = tpu.memref_slice %arg9[%mul3A_16, %dma_wait3A_26] : memref<80x128xf32, #tpu.memory_space<vmem_shared>> -> memref<8x128xf32, #tpu.memory_space<vmem_shared>>
        tpu.wait_dma2 semaphore(%run_scoped3A : memref<!tpu.dma_semaphore, #tpu.memory_space<semaphore_mem>>) src(%dma_wait3A_27 : memref<8x128xf32, #tpu.memory_space<vmem_shared>>) dst(%dma_wait3A_25 : memref<8x128xf32, #tpu.memory_space<hbm>>)
        tpu.yield
      }) : () -> ()
    } else {
    }
    return
  }
}

#map = affine_map<(d0, d1) -> (0)>
#map1 = affine_map<(d0, d1) -> (0, 0)>
module attributes {stable_mosaic.version = 14 : i64} {
  func.func @agg_kernel(%arg0: i32, %arg1: i32, %arg2: memref<323584xi32, #tpu.memory_space<hbm>>, %arg3: memref<323584xi32, #tpu.memory_space<hbm>>, %arg4: memref<10240x128xf32, #tpu.memory_space<hbm>>, %arg5: memref<10240x128xf32, #tpu.memory_space<hbm>>, %arg6: memref<20480x128xf32, #tpu.memory_space<hbm>>, %arg7: memref<128xi32, #tpu.memory_space<vmem>>, %arg8: memref<128xi32, #tpu.memory_space<vmem>>, %arg9: memref<128x128xf32, #tpu.memory_space<vmem>>, %arg10: memref<10240x128xf32, #tpu.memory_space<vmem_shared>>, %arg11: memref<!tpu.dma_semaphore, #tpu.memory_space<semaphore_mem>>) attributes {dimension_semantics = [#tpu.dimension_semantics<core_parallel>, #tpu.dimension_semantics<subcore_parallel>], iteration_bounds = array<i64: 2, 16>, scalar_prefetch = 0 : i64, scratch_operands = 5 : i64, tpu.core_type = #tpu.core_type<sc_vector_subcore>, window_params = [{transform_indices = #map}, {transform_indices = #map}, {transform_indices = #map1}, {transform_indices = #map1}, {transform_indices = #map1}]} {
    %eq3A = arith.constant 0 : i32
    %eq3A_0 = arith.cmpi eq, %arg1, %eq3A : i32
    %convert_element_type3A = arith.extui %eq3A_0 : i1 to i32
    %cond3A = arith.constant 0 : i32
    %cond3A_1 = arith.cmpi ne, %convert_element_type3A, %cond3A : i32
    scf.if %cond3A_1 {
      "tpu.region"() ({
        %run_scoped3A = tpu.sem_alloc : memref<!tpu.dma_semaphore, #tpu.memory_space<semaphore_mem>>
        tpu.enqueue_dma source(%arg5 : memref<10240x128xf32, #tpu.memory_space<hbm>>) target(%arg10 : memref<10240x128xf32, #tpu.memory_space<vmem_shared>>) target_semaphore(%run_scoped3A : memref<!tpu.dma_semaphore, #tpu.memory_space<semaphore_mem>>)
        tpu.wait_dma2 semaphore(%run_scoped3A : memref<!tpu.dma_semaphore, #tpu.memory_space<semaphore_mem>>) src(%arg5 : memref<10240x128xf32, #tpu.memory_space<hbm>>) dst(%arg10 : memref<10240x128xf32, #tpu.memory_space<vmem_shared>>)
        tpu.yield
      }) : () -> ()
    } else {
    }
    %barrier3A = arith.constant 0 : index
    tpu.barrier barrier_id(%barrier3A)
    %eq3A_2 = arith.constant 0 : i32
    %eq3A_3 = arith.cmpi eq, %arg0, %eq3A_2 : i32
    %convert_element_type3A_4 = arith.extui %eq3A_3 : i1 to i32
    %cond3A_5 = arith.constant 0 : i32
    %cond3A_6 = arith.cmpi ne, %convert_element_type3A_4, %cond3A_5 : i32
    scf.if %cond3A_6 {
      %mul3A_18 = arith.constant 11648 : i32
      %mul3A_19 = arith.muli %arg1, %mul3A_18 : i32
      %scan3A = arith.constant 0 : i32
      %scan3A_20 = arith.constant 91 : i32
      %scan3A_21 = arith.addi %scan3A, %scan3A_20 : i32
      %scan3A_22 = arith.constant 1 : i32
      scf.for %scan3A_24 = %scan3A to %scan3A_21 step %scan3A_22  : i32 {
        %mul3A_25 = arith.constant 1 : i32
        %mul3A_26 = arith.muli %scan3A_24, %mul3A_25 : i32
        %add3A_27 = arith.constant 0 : i32
        %add3A_28 = arith.addi %add3A_27, %mul3A_26 : i32
        %mul3A_29 = arith.constant 128 : i32
        %mul3A_30 = arith.muli %add3A_28, %mul3A_29 : i32
        %add3A_31 = arith.addi %mul3A_19, %mul3A_30 : i32
        "tpu.region"() ({
          %run_scoped3A = tpu.sem_alloc : memref<!tpu.dma_semaphore, #tpu.memory_space<semaphore_mem>>
          %dma_start3A_36 = tpu.memref_slice %arg2[%add3A_31] : memref<323584xi32, #tpu.memory_space<hbm>> -> memref<128xi32, #tpu.memory_space<hbm>>
          %dma_start3A_37 = tpu.memref_slice %arg2[%add3A_31] : memref<323584xi32, #tpu.memory_space<hbm>> -> memref<128xi32, #tpu.memory_space<hbm>>
          tpu.enqueue_dma source(%dma_start3A_37 : memref<128xi32, #tpu.memory_space<hbm>>) target(%arg7 : memref<128xi32, #tpu.memory_space<vmem>>) target_semaphore(%run_scoped3A : memref<!tpu.dma_semaphore, #tpu.memory_space<semaphore_mem>>)
          %dma_wait3A_38 = tpu.memref_slice %arg2[%add3A_31] : memref<323584xi32, #tpu.memory_space<hbm>> -> memref<128xi32, #tpu.memory_space<hbm>>
          %dma_wait3A_39 = tpu.memref_slice %arg2[%add3A_31] : memref<323584xi32, #tpu.memory_space<hbm>> -> memref<128xi32, #tpu.memory_space<hbm>>
          tpu.wait_dma2 semaphore(%run_scoped3A : memref<!tpu.dma_semaphore, #tpu.memory_space<semaphore_mem>>) src(%dma_wait3A_39 : memref<128xi32, #tpu.memory_space<hbm>>) dst(%arg7 : memref<128xi32, #tpu.memory_space<vmem>>)
          tpu.yield
        }) : () -> ()
        "tpu.region"() ({
          %run_scoped3A = tpu.sem_alloc : memref<!tpu.dma_semaphore, #tpu.memory_space<semaphore_mem>>
          %dma_start3A_36 = tpu.memref_slice %arg3[%add3A_31] : memref<323584xi32, #tpu.memory_space<hbm>> -> memref<128xi32, #tpu.memory_space<hbm>>
          %dma_start3A_37 = tpu.memref_slice %arg3[%add3A_31] : memref<323584xi32, #tpu.memory_space<hbm>> -> memref<128xi32, #tpu.memory_space<hbm>>
          tpu.enqueue_dma source(%dma_start3A_37 : memref<128xi32, #tpu.memory_space<hbm>>) target(%arg8 : memref<128xi32, #tpu.memory_space<vmem>>) target_semaphore(%run_scoped3A : memref<!tpu.dma_semaphore, #tpu.memory_space<semaphore_mem>>)
          %dma_wait3A_38 = tpu.memref_slice %arg3[%add3A_31] : memref<323584xi32, #tpu.memory_space<hbm>> -> memref<128xi32, #tpu.memory_space<hbm>>
          %dma_wait3A_39 = tpu.memref_slice %arg3[%add3A_31] : memref<323584xi32, #tpu.memory_space<hbm>> -> memref<128xi32, #tpu.memory_space<hbm>>
          tpu.wait_dma2 semaphore(%run_scoped3A : memref<!tpu.dma_semaphore, #tpu.memory_space<semaphore_mem>>) src(%dma_wait3A_39 : memref<128xi32, #tpu.memory_space<hbm>>) dst(%arg8 : memref<128xi32, #tpu.memory_space<vmem>>)
          tpu.yield
        }) : () -> ()
        %dma_start3A = arith.constant 0 : i32
        %dma_start3A_32 = arith.constant 0 : i32
        %dma_start3A_33 = tpu.memref_slice %arg4[%dma_start3A, %dma_start3A_32] : memref<10240x128xf32, #tpu.memory_space<hbm>> -> memref<10240x128xf32, #tpu.memory_space<hbm>>
        tpu.enqueue_indirect_dma source(%dma_start3A_33 : memref<10240x128xf32, #tpu.memory_space<hbm>>) target(%arg9 : memref<128x128xf32, #tpu.memory_space<vmem>>) offsets(%arg7 : memref<128xi32, #tpu.memory_space<vmem>>) semaphore(%arg11 : memref<!tpu.dma_semaphore, #tpu.memory_space<semaphore_mem>>)
        %dma_wait3A = arith.constant 0 : i32
        %dma_wait3A_34 = arith.constant 0 : i32
        %dma_wait3A_35 = tpu.memref_slice %arg4[%dma_wait3A, %dma_wait3A_34] : memref<10240x128xf32, #tpu.memory_space<hbm>> -> memref<10240x128xf32, #tpu.memory_space<hbm>>
        tpu.wait_indirect_dma semaphore(%arg11 : memref<!tpu.dma_semaphore, #tpu.memory_space<semaphore_mem>>) src(%dma_wait3A_35 : memref<10240x128xf32, #tpu.memory_space<hbm>>) dst(%arg9 : memref<128x128xf32, #tpu.memory_space<vmem>>)
        "tpu.region"() ({
          %run_scoped3A = tpu.sem_alloc : memref<!tpu.dma_semaphore, #tpu.memory_space<semaphore_mem>>
          %dma_start3A_36 = arith.constant 0 : i32
          %dma_start3A_37 = arith.constant 0 : i32
          %dma_start3A_38 = tpu.memref_slice %arg10[%dma_start3A_36, %dma_start3A_37] : memref<10240x128xf32, #tpu.memory_space<vmem_shared>> -> memref<10240x128xf32, #tpu.memory_space<vmem_shared>>
          tpu.enqueue_indirect_dma source(%arg9 : memref<128x128xf32, #tpu.memory_space<vmem>>) target(%dma_start3A_38 : memref<10240x128xf32, #tpu.memory_space<vmem_shared>>) offsets(%arg8 : memref<128xi32, #tpu.memory_space<vmem>>) semaphore(%run_scoped3A : memref<!tpu.dma_semaphore, #tpu.memory_space<semaphore_mem>>) {add = true}
          %dma_wait3A_39 = arith.constant 0 : i32
          %dma_wait3A_40 = arith.constant 0 : i32
          %dma_wait3A_41 = tpu.memref_slice %arg10[%dma_wait3A_39, %dma_wait3A_40] : memref<10240x128xf32, #tpu.memory_space<vmem_shared>> -> memref<10240x128xf32, #tpu.memory_space<vmem_shared>>
          tpu.wait_indirect_dma semaphore(%run_scoped3A : memref<!tpu.dma_semaphore, #tpu.memory_space<semaphore_mem>>) src(%arg9 : memref<128x128xf32, #tpu.memory_space<vmem>>) dst(%dma_wait3A_41 : memref<10240x128xf32, #tpu.memory_space<vmem_shared>>)
          tpu.yield
        }) : () -> ()
      }
      %scan3A_23 = arith.constant 91 : i32
    } else {
    }
    %eq3A_7 = arith.constant 1 : i32
    %eq3A_8 = arith.cmpi eq, %arg0, %eq3A_7 : i32
    %convert_element_type3A_9 = arith.extui %eq3A_8 : i1 to i32
    %cond3A_10 = arith.constant 0 : i32
    %cond3A_11 = arith.cmpi ne, %convert_element_type3A_9, %cond3A_10 : i32
    scf.if %cond3A_11 {
      %mul3A_18 = arith.constant 8576 : i32
      %mul3A_19 = arith.muli %arg1, %mul3A_18 : i32
      %add3A_20 = arith.constant 186368 : i32
      %add3A_21 = arith.addi %add3A_20, %mul3A_19 : i32
      %scan3A = arith.constant 0 : i32
      %scan3A_22 = arith.constant 67 : i32
      %scan3A_23 = arith.addi %scan3A, %scan3A_22 : i32
      %scan3A_24 = arith.constant 1 : i32
      scf.for %scan3A_26 = %scan3A to %scan3A_23 step %scan3A_24  : i32 {
        %mul3A_27 = arith.constant 1 : i32
        %mul3A_28 = arith.muli %scan3A_26, %mul3A_27 : i32
        %add3A_29 = arith.constant 0 : i32
        %add3A_30 = arith.addi %add3A_29, %mul3A_28 : i32
        %mul3A_31 = arith.constant 128 : i32
        %mul3A_32 = arith.muli %add3A_30, %mul3A_31 : i32
        %add3A_33 = arith.addi %add3A_21, %mul3A_32 : i32
        "tpu.region"() ({
          %run_scoped3A = tpu.sem_alloc : memref<!tpu.dma_semaphore, #tpu.memory_space<semaphore_mem>>
          %dma_start3A_38 = tpu.memref_slice %arg2[%add3A_33] : memref<323584xi32, #tpu.memory_space<hbm>> -> memref<128xi32, #tpu.memory_space<hbm>>
          %dma_start3A_39 = tpu.memref_slice %arg2[%add3A_33] : memref<323584xi32, #tpu.memory_space<hbm>> -> memref<128xi32, #tpu.memory_space<hbm>>
          tpu.enqueue_dma source(%dma_start3A_39 : memref<128xi32, #tpu.memory_space<hbm>>) target(%arg7 : memref<128xi32, #tpu.memory_space<vmem>>) target_semaphore(%run_scoped3A : memref<!tpu.dma_semaphore, #tpu.memory_space<semaphore_mem>>)
          %dma_wait3A_40 = tpu.memref_slice %arg2[%add3A_33] : memref<323584xi32, #tpu.memory_space<hbm>> -> memref<128xi32, #tpu.memory_space<hbm>>
          %dma_wait3A_41 = tpu.memref_slice %arg2[%add3A_33] : memref<323584xi32, #tpu.memory_space<hbm>> -> memref<128xi32, #tpu.memory_space<hbm>>
          tpu.wait_dma2 semaphore(%run_scoped3A : memref<!tpu.dma_semaphore, #tpu.memory_space<semaphore_mem>>) src(%dma_wait3A_41 : memref<128xi32, #tpu.memory_space<hbm>>) dst(%arg7 : memref<128xi32, #tpu.memory_space<vmem>>)
          tpu.yield
        }) : () -> ()
        "tpu.region"() ({
          %run_scoped3A = tpu.sem_alloc : memref<!tpu.dma_semaphore, #tpu.memory_space<semaphore_mem>>
          %dma_start3A_38 = tpu.memref_slice %arg3[%add3A_33] : memref<323584xi32, #tpu.memory_space<hbm>> -> memref<128xi32, #tpu.memory_space<hbm>>
          %dma_start3A_39 = tpu.memref_slice %arg3[%add3A_33] : memref<323584xi32, #tpu.memory_space<hbm>> -> memref<128xi32, #tpu.memory_space<hbm>>
          tpu.enqueue_dma source(%dma_start3A_39 : memref<128xi32, #tpu.memory_space<hbm>>) target(%arg8 : memref<128xi32, #tpu.memory_space<vmem>>) target_semaphore(%run_scoped3A : memref<!tpu.dma_semaphore, #tpu.memory_space<semaphore_mem>>)
          %dma_wait3A_40 = tpu.memref_slice %arg3[%add3A_33] : memref<323584xi32, #tpu.memory_space<hbm>> -> memref<128xi32, #tpu.memory_space<hbm>>
          %dma_wait3A_41 = tpu.memref_slice %arg3[%add3A_33] : memref<323584xi32, #tpu.memory_space<hbm>> -> memref<128xi32, #tpu.memory_space<hbm>>
          tpu.wait_dma2 semaphore(%run_scoped3A : memref<!tpu.dma_semaphore, #tpu.memory_space<semaphore_mem>>) src(%dma_wait3A_41 : memref<128xi32, #tpu.memory_space<hbm>>) dst(%arg8 : memref<128xi32, #tpu.memory_space<vmem>>)
          tpu.yield
        }) : () -> ()
        %dma_start3A = arith.constant 0 : i32
        %dma_start3A_34 = arith.constant 0 : i32
        %dma_start3A_35 = tpu.memref_slice %arg4[%dma_start3A, %dma_start3A_34] : memref<10240x128xf32, #tpu.memory_space<hbm>> -> memref<10240x128xf32, #tpu.memory_space<hbm>>
        tpu.enqueue_indirect_dma source(%dma_start3A_35 : memref<10240x128xf32, #tpu.memory_space<hbm>>) target(%arg9 : memref<128x128xf32, #tpu.memory_space<vmem>>) offsets(%arg7 : memref<128xi32, #tpu.memory_space<vmem>>) semaphore(%arg11 : memref<!tpu.dma_semaphore, #tpu.memory_space<semaphore_mem>>)
        %dma_wait3A = arith.constant 0 : i32
        %dma_wait3A_36 = arith.constant 0 : i32
        %dma_wait3A_37 = tpu.memref_slice %arg4[%dma_wait3A, %dma_wait3A_36] : memref<10240x128xf32, #tpu.memory_space<hbm>> -> memref<10240x128xf32, #tpu.memory_space<hbm>>
        tpu.wait_indirect_dma semaphore(%arg11 : memref<!tpu.dma_semaphore, #tpu.memory_space<semaphore_mem>>) src(%dma_wait3A_37 : memref<10240x128xf32, #tpu.memory_space<hbm>>) dst(%arg9 : memref<128x128xf32, #tpu.memory_space<vmem>>)
        "tpu.region"() ({
          %run_scoped3A = tpu.sem_alloc : memref<!tpu.dma_semaphore, #tpu.memory_space<semaphore_mem>>
          %dma_start3A_38 = arith.constant 0 : i32
          %dma_start3A_39 = arith.constant 0 : i32
          %dma_start3A_40 = tpu.memref_slice %arg10[%dma_start3A_38, %dma_start3A_39] : memref<10240x128xf32, #tpu.memory_space<vmem_shared>> -> memref<10240x128xf32, #tpu.memory_space<vmem_shared>>
          tpu.enqueue_indirect_dma source(%arg9 : memref<128x128xf32, #tpu.memory_space<vmem>>) target(%dma_start3A_40 : memref<10240x128xf32, #tpu.memory_space<vmem_shared>>) offsets(%arg8 : memref<128xi32, #tpu.memory_space<vmem>>) semaphore(%run_scoped3A : memref<!tpu.dma_semaphore, #tpu.memory_space<semaphore_mem>>) {add = true}
          %dma_wait3A_41 = arith.constant 0 : i32
          %dma_wait3A_42 = arith.constant 0 : i32
          %dma_wait3A_43 = tpu.memref_slice %arg10[%dma_wait3A_41, %dma_wait3A_42] : memref<10240x128xf32, #tpu.memory_space<vmem_shared>> -> memref<10240x128xf32, #tpu.memory_space<vmem_shared>>
          tpu.wait_indirect_dma semaphore(%run_scoped3A : memref<!tpu.dma_semaphore, #tpu.memory_space<semaphore_mem>>) src(%arg9 : memref<128x128xf32, #tpu.memory_space<vmem>>) dst(%dma_wait3A_43 : memref<10240x128xf32, #tpu.memory_space<vmem_shared>>)
          tpu.yield
        }) : () -> ()
      }
      %scan3A_25 = arith.constant 67 : i32
    } else {
    }
    %barrier3A_12 = arith.constant 0 : index
    tpu.barrier barrier_id(%barrier3A_12)
    %mul3A = arith.constant 640 : i32
    %mul3A_13 = arith.muli %arg1, %mul3A : i32
    %mul3A_14 = arith.constant 10240 : i32
    %mul3A_15 = arith.muli %arg0, %mul3A_14 : i32
    %mul3A_16 = arith.constant 640 : i32
    %mul3A_17 = arith.muli %arg1, %mul3A_16 : i32
    %add3A = arith.addi %mul3A_15, %mul3A_17 : i32
    "tpu.region"() ({
      %run_scoped3A = tpu.sem_alloc : memref<!tpu.dma_semaphore, #tpu.memory_space<semaphore_mem>>
      %dma_start3A = arith.constant 0 : i32
      %dma_start3A_18 = tpu.memref_slice %arg6[%add3A, %dma_start3A] : memref<20480x128xf32, #tpu.memory_space<hbm>> -> memref<640x128xf32, #tpu.memory_space<hbm>>
      %dma_start3A_19 = arith.constant 0 : i32
      %dma_start3A_20 = tpu.memref_slice %arg10[%mul3A_13, %dma_start3A_19] : memref<10240x128xf32, #tpu.memory_space<vmem_shared>> -> memref<640x128xf32, #tpu.memory_space<vmem_shared>>
      tpu.enqueue_dma source(%dma_start3A_20 : memref<640x128xf32, #tpu.memory_space<vmem_shared>>) target(%dma_start3A_18 : memref<640x128xf32, #tpu.memory_space<hbm>>) target_semaphore(%run_scoped3A : memref<!tpu.dma_semaphore, #tpu.memory_space<semaphore_mem>>)
      %dma_wait3A = arith.constant 0 : i32
      %dma_wait3A_21 = tpu.memref_slice %arg6[%add3A, %dma_wait3A] : memref<20480x128xf32, #tpu.memory_space<hbm>> -> memref<640x128xf32, #tpu.memory_space<hbm>>
      %dma_wait3A_22 = arith.constant 0 : i32
      %dma_wait3A_23 = tpu.memref_slice %arg10[%mul3A_13, %dma_wait3A_22] : memref<10240x128xf32, #tpu.memory_space<vmem_shared>> -> memref<640x128xf32, #tpu.memory_space<vmem_shared>>
      tpu.wait_dma2 semaphore(%run_scoped3A : memref<!tpu.dma_semaphore, #tpu.memory_space<semaphore_mem>>) src(%dma_wait3A_23 : memref<640x128xf32, #tpu.memory_space<vmem_shared>>) dst(%dma_wait3A_21 : memref<640x128xf32, #tpu.memory_space<hbm>>)
      tpu.yield
    }) : () -> ()
    return
  }
}

#map = affine_map<(d0, d1) -> (0)>
#map1 = affine_map<(d0, d1) -> (0, 0)>
module attributes {stable_mosaic.version = 14 : i64} {
  func.func @agg_kernel(%arg0: i32, %arg1: i32, %arg2: memref<323584xi32, #tpu.memory_space<hbm>>, %arg3: memref<323584xi32, #tpu.memory_space<hbm>>, %arg4: memref<10240x128xf32, #tpu.memory_space<hbm>>, %arg5: memref<10240x128xf32, #tpu.memory_space<hbm>>, %arg6: memref<20480x128xf32, #tpu.memory_space<hbm>>, %arg7: memref<128xi32, #tpu.memory_space<vmem>>, %arg8: memref<128xi32, #tpu.memory_space<vmem>>, %arg9: memref<128x128xf32, #tpu.memory_space<vmem>>, %arg10: memref<10240x128xf32, #tpu.memory_space<vmem_shared>>, %arg11: memref<!tpu.dma_semaphore, #tpu.memory_space<semaphore_mem>>) attributes {dimension_semantics = [#tpu.dimension_semantics<core_parallel>, #tpu.dimension_semantics<subcore_parallel>], iteration_bounds = array<i64: 2, 16>, scalar_prefetch = 0 : i64, scratch_operands = 5 : i64, tpu.core_type = #tpu.core_type<sc_vector_subcore>, window_params = [{transform_indices = #map}, {transform_indices = #map}, {transform_indices = #map1}, {transform_indices = #map1}, {transform_indices = #map1}]} {
    %eq3A = arith.constant 0 : i32
    %eq3A_0 = arith.cmpi eq, %arg1, %eq3A : i32
    %convert_element_type3A = arith.extui %eq3A_0 : i1 to i32
    %cond3A = arith.constant 0 : i32
    %cond3A_1 = arith.cmpi ne, %convert_element_type3A, %cond3A : i32
    scf.if %cond3A_1 {
      "tpu.region"() ({
        %run_scoped3A = tpu.sem_alloc : memref<!tpu.dma_semaphore, #tpu.memory_space<semaphore_mem>>
        tpu.enqueue_dma source(%arg5 : memref<10240x128xf32, #tpu.memory_space<hbm>>) target(%arg10 : memref<10240x128xf32, #tpu.memory_space<vmem_shared>>) target_semaphore(%run_scoped3A : memref<!tpu.dma_semaphore, #tpu.memory_space<semaphore_mem>>)
        tpu.wait_dma2 semaphore(%run_scoped3A : memref<!tpu.dma_semaphore, #tpu.memory_space<semaphore_mem>>) src(%arg5 : memref<10240x128xf32, #tpu.memory_space<hbm>>) dst(%arg10 : memref<10240x128xf32, #tpu.memory_space<vmem_shared>>)
        tpu.yield
      }) : () -> ()
    } else {
    }
    %barrier3A = arith.constant 0 : index
    tpu.barrier barrier_id(%barrier3A)
    %eq3A_2 = arith.constant 0 : i32
    %eq3A_3 = arith.cmpi eq, %arg0, %eq3A_2 : i32
    %convert_element_type3A_4 = arith.extui %eq3A_3 : i1 to i32
    %cond3A_5 = arith.constant 0 : i32
    %cond3A_6 = arith.cmpi ne, %convert_element_type3A_4, %cond3A_5 : i32
    scf.if %cond3A_6 {
      %mul3A_18 = arith.constant 11648 : i32
      %mul3A_19 = arith.muli %arg1, %mul3A_18 : i32
      %scan3A = arith.constant 0 : i32
      %scan3A_20 = arith.constant 91 : i32
      %scan3A_21 = arith.addi %scan3A, %scan3A_20 : i32
      %scan3A_22 = arith.constant 1 : i32
      scf.for %scan3A_24 = %scan3A to %scan3A_21 step %scan3A_22  : i32 {
        %mul3A_25 = arith.constant 1 : i32
        %mul3A_26 = arith.muli %scan3A_24, %mul3A_25 : i32
        %add3A_27 = arith.constant 0 : i32
        %add3A_28 = arith.addi %add3A_27, %mul3A_26 : i32
        %mul3A_29 = arith.constant 128 : i32
        %mul3A_30 = arith.muli %add3A_28, %mul3A_29 : i32
        %add3A_31 = arith.addi %mul3A_19, %mul3A_30 : i32
        "tpu.region"() ({
          %run_scoped3A = tpu.sem_alloc : memref<!tpu.dma_semaphore, #tpu.memory_space<semaphore_mem>>
          %dma_start3A_36 = tpu.memref_slice %arg2[%add3A_31] : memref<323584xi32, #tpu.memory_space<hbm>> -> memref<128xi32, #tpu.memory_space<hbm>>
          %dma_start3A_37 = tpu.memref_slice %arg2[%add3A_31] : memref<323584xi32, #tpu.memory_space<hbm>> -> memref<128xi32, #tpu.memory_space<hbm>>
          tpu.enqueue_dma source(%dma_start3A_37 : memref<128xi32, #tpu.memory_space<hbm>>) target(%arg7 : memref<128xi32, #tpu.memory_space<vmem>>) target_semaphore(%run_scoped3A : memref<!tpu.dma_semaphore, #tpu.memory_space<semaphore_mem>>)
          %dma_wait3A_38 = tpu.memref_slice %arg2[%add3A_31] : memref<323584xi32, #tpu.memory_space<hbm>> -> memref<128xi32, #tpu.memory_space<hbm>>
          %dma_wait3A_39 = tpu.memref_slice %arg2[%add3A_31] : memref<323584xi32, #tpu.memory_space<hbm>> -> memref<128xi32, #tpu.memory_space<hbm>>
          tpu.wait_dma2 semaphore(%run_scoped3A : memref<!tpu.dma_semaphore, #tpu.memory_space<semaphore_mem>>) src(%dma_wait3A_39 : memref<128xi32, #tpu.memory_space<hbm>>) dst(%arg7 : memref<128xi32, #tpu.memory_space<vmem>>)
          tpu.yield
        }) : () -> ()
        "tpu.region"() ({
          %run_scoped3A = tpu.sem_alloc : memref<!tpu.dma_semaphore, #tpu.memory_space<semaphore_mem>>
          %dma_start3A_36 = tpu.memref_slice %arg3[%add3A_31] : memref<323584xi32, #tpu.memory_space<hbm>> -> memref<128xi32, #tpu.memory_space<hbm>>
          %dma_start3A_37 = tpu.memref_slice %arg3[%add3A_31] : memref<323584xi32, #tpu.memory_space<hbm>> -> memref<128xi32, #tpu.memory_space<hbm>>
          tpu.enqueue_dma source(%dma_start3A_37 : memref<128xi32, #tpu.memory_space<hbm>>) target(%arg8 : memref<128xi32, #tpu.memory_space<vmem>>) target_semaphore(%run_scoped3A : memref<!tpu.dma_semaphore, #tpu.memory_space<semaphore_mem>>)
          %dma_wait3A_38 = tpu.memref_slice %arg3[%add3A_31] : memref<323584xi32, #tpu.memory_space<hbm>> -> memref<128xi32, #tpu.memory_space<hbm>>
          %dma_wait3A_39 = tpu.memref_slice %arg3[%add3A_31] : memref<323584xi32, #tpu.memory_space<hbm>> -> memref<128xi32, #tpu.memory_space<hbm>>
          tpu.wait_dma2 semaphore(%run_scoped3A : memref<!tpu.dma_semaphore, #tpu.memory_space<semaphore_mem>>) src(%dma_wait3A_39 : memref<128xi32, #tpu.memory_space<hbm>>) dst(%arg8 : memref<128xi32, #tpu.memory_space<vmem>>)
          tpu.yield
        }) : () -> ()
        %dma_start3A = arith.constant 0 : i32
        %dma_start3A_32 = arith.constant 0 : i32
        %dma_start3A_33 = tpu.memref_slice %arg4[%dma_start3A, %dma_start3A_32] : memref<10240x128xf32, #tpu.memory_space<hbm>> -> memref<10240x128xf32, #tpu.memory_space<hbm>>
        tpu.enqueue_indirect_dma source(%dma_start3A_33 : memref<10240x128xf32, #tpu.memory_space<hbm>>) target(%arg9 : memref<128x128xf32, #tpu.memory_space<vmem>>) offsets(%arg7 : memref<128xi32, #tpu.memory_space<vmem>>) semaphore(%arg11 : memref<!tpu.dma_semaphore, #tpu.memory_space<semaphore_mem>>)
        %dma_wait3A = arith.constant 0 : i32
        %dma_wait3A_34 = arith.constant 0 : i32
        %dma_wait3A_35 = tpu.memref_slice %arg4[%dma_wait3A, %dma_wait3A_34] : memref<10240x128xf32, #tpu.memory_space<hbm>> -> memref<10240x128xf32, #tpu.memory_space<hbm>>
        tpu.wait_indirect_dma semaphore(%arg11 : memref<!tpu.dma_semaphore, #tpu.memory_space<semaphore_mem>>) src(%dma_wait3A_35 : memref<10240x128xf32, #tpu.memory_space<hbm>>) dst(%arg9 : memref<128x128xf32, #tpu.memory_space<vmem>>)
        "tpu.region"() ({
          %run_scoped3A = tpu.sem_alloc : memref<!tpu.dma_semaphore, #tpu.memory_space<semaphore_mem>>
          %dma_start3A_36 = arith.constant 0 : i32
          %dma_start3A_37 = arith.constant 0 : i32
          %dma_start3A_38 = tpu.memref_slice %arg10[%dma_start3A_36, %dma_start3A_37] : memref<10240x128xf32, #tpu.memory_space<vmem_shared>> -> memref<10240x128xf32, #tpu.memory_space<vmem_shared>>
          tpu.enqueue_indirect_dma source(%arg9 : memref<128x128xf32, #tpu.memory_space<vmem>>) target(%dma_start3A_38 : memref<10240x128xf32, #tpu.memory_space<vmem_shared>>) offsets(%arg8 : memref<128xi32, #tpu.memory_space<vmem>>) semaphore(%run_scoped3A : memref<!tpu.dma_semaphore, #tpu.memory_space<semaphore_mem>>) {add = true}
          %dma_wait3A_39 = arith.constant 0 : i32
          %dma_wait3A_40 = arith.constant 0 : i32
          %dma_wait3A_41 = tpu.memref_slice %arg10[%dma_wait3A_39, %dma_wait3A_40] : memref<10240x128xf32, #tpu.memory_space<vmem_shared>> -> memref<10240x128xf32, #tpu.memory_space<vmem_shared>>
          tpu.wait_indirect_dma semaphore(%run_scoped3A : memref<!tpu.dma_semaphore, #tpu.memory_space<semaphore_mem>>) src(%arg9 : memref<128x128xf32, #tpu.memory_space<vmem>>) dst(%dma_wait3A_41 : memref<10240x128xf32, #tpu.memory_space<vmem_shared>>)
          tpu.yield
        }) : () -> ()
      }
      %scan3A_23 = arith.constant 91 : i32
    } else {
    }
    %eq3A_7 = arith.constant 1 : i32
    %eq3A_8 = arith.cmpi eq, %arg0, %eq3A_7 : i32
    %convert_element_type3A_9 = arith.extui %eq3A_8 : i1 to i32
    %cond3A_10 = arith.constant 0 : i32
    %cond3A_11 = arith.cmpi ne, %convert_element_type3A_9, %cond3A_10 : i32
    scf.if %cond3A_11 {
      %mul3A_18 = arith.constant 8576 : i32
      %mul3A_19 = arith.muli %arg1, %mul3A_18 : i32
      %add3A_20 = arith.constant 186368 : i32
      %add3A_21 = arith.addi %add3A_20, %mul3A_19 : i32
      %scan3A = arith.constant 0 : i32
      %scan3A_22 = arith.constant 67 : i32
      %scan3A_23 = arith.addi %scan3A, %scan3A_22 : i32
      %scan3A_24 = arith.constant 1 : i32
      scf.for %scan3A_26 = %scan3A to %scan3A_23 step %scan3A_24  : i32 {
        %mul3A_27 = arith.constant 1 : i32
        %mul3A_28 = arith.muli %scan3A_26, %mul3A_27 : i32
        %add3A_29 = arith.constant 0 : i32
        %add3A_30 = arith.addi %add3A_29, %mul3A_28 : i32
        %mul3A_31 = arith.constant 128 : i32
        %mul3A_32 = arith.muli %add3A_30, %mul3A_31 : i32
        %add3A_33 = arith.addi %add3A_21, %mul3A_32 : i32
        "tpu.region"() ({
          %run_scoped3A = tpu.sem_alloc : memref<!tpu.dma_semaphore, #tpu.memory_space<semaphore_mem>>
          %dma_start3A_38 = tpu.memref_slice %arg2[%add3A_33] : memref<323584xi32, #tpu.memory_space<hbm>> -> memref<128xi32, #tpu.memory_space<hbm>>
          %dma_start3A_39 = tpu.memref_slice %arg2[%add3A_33] : memref<323584xi32, #tpu.memory_space<hbm>> -> memref<128xi32, #tpu.memory_space<hbm>>
          tpu.enqueue_dma source(%dma_start3A_39 : memref<128xi32, #tpu.memory_space<hbm>>) target(%arg7 : memref<128xi32, #tpu.memory_space<vmem>>) target_semaphore(%run_scoped3A : memref<!tpu.dma_semaphore, #tpu.memory_space<semaphore_mem>>)
          %dma_wait3A_40 = tpu.memref_slice %arg2[%add3A_33] : memref<323584xi32, #tpu.memory_space<hbm>> -> memref<128xi32, #tpu.memory_space<hbm>>
          %dma_wait3A_41 = tpu.memref_slice %arg2[%add3A_33] : memref<323584xi32, #tpu.memory_space<hbm>> -> memref<128xi32, #tpu.memory_space<hbm>>
          tpu.wait_dma2 semaphore(%run_scoped3A : memref<!tpu.dma_semaphore, #tpu.memory_space<semaphore_mem>>) src(%dma_wait3A_41 : memref<128xi32, #tpu.memory_space<hbm>>) dst(%arg7 : memref<128xi32, #tpu.memory_space<vmem>>)
          tpu.yield
        }) : () -> ()
        "tpu.region"() ({
          %run_scoped3A = tpu.sem_alloc : memref<!tpu.dma_semaphore, #tpu.memory_space<semaphore_mem>>
          %dma_start3A_38 = tpu.memref_slice %arg3[%add3A_33] : memref<323584xi32, #tpu.memory_space<hbm>> -> memref<128xi32, #tpu.memory_space<hbm>>
          %dma_start3A_39 = tpu.memref_slice %arg3[%add3A_33] : memref<323584xi32, #tpu.memory_space<hbm>> -> memref<128xi32, #tpu.memory_space<hbm>>
          tpu.enqueue_dma source(%dma_start3A_39 : memref<128xi32, #tpu.memory_space<hbm>>) target(%arg8 : memref<128xi32, #tpu.memory_space<vmem>>) target_semaphore(%run_scoped3A : memref<!tpu.dma_semaphore, #tpu.memory_space<semaphore_mem>>)
          %dma_wait3A_40 = tpu.memref_slice %arg3[%add3A_33] : memref<323584xi32, #tpu.memory_space<hbm>> -> memref<128xi32, #tpu.memory_space<hbm>>
          %dma_wait3A_41 = tpu.memref_slice %arg3[%add3A_33] : memref<323584xi32, #tpu.memory_space<hbm>> -> memref<128xi32, #tpu.memory_space<hbm>>
          tpu.wait_dma2 semaphore(%run_scoped3A : memref<!tpu.dma_semaphore, #tpu.memory_space<semaphore_mem>>) src(%dma_wait3A_41 : memref<128xi32, #tpu.memory_space<hbm>>) dst(%arg8 : memref<128xi32, #tpu.memory_space<vmem>>)
          tpu.yield
        }) : () -> ()
        %dma_start3A = arith.constant 0 : i32
        %dma_start3A_34 = arith.constant 0 : i32
        %dma_start3A_35 = tpu.memref_slice %arg4[%dma_start3A, %dma_start3A_34] : memref<10240x128xf32, #tpu.memory_space<hbm>> -> memref<10240x128xf32, #tpu.memory_space<hbm>>
        tpu.enqueue_indirect_dma source(%dma_start3A_35 : memref<10240x128xf32, #tpu.memory_space<hbm>>) target(%arg9 : memref<128x128xf32, #tpu.memory_space<vmem>>) offsets(%arg7 : memref<128xi32, #tpu.memory_space<vmem>>) semaphore(%arg11 : memref<!tpu.dma_semaphore, #tpu.memory_space<semaphore_mem>>)
        %dma_wait3A = arith.constant 0 : i32
        %dma_wait3A_36 = arith.constant 0 : i32
        %dma_wait3A_37 = tpu.memref_slice %arg4[%dma_wait3A, %dma_wait3A_36] : memref<10240x128xf32, #tpu.memory_space<hbm>> -> memref<10240x128xf32, #tpu.memory_space<hbm>>
        tpu.wait_indirect_dma semaphore(%arg11 : memref<!tpu.dma_semaphore, #tpu.memory_space<semaphore_mem>>) src(%dma_wait3A_37 : memref<10240x128xf32, #tpu.memory_space<hbm>>) dst(%arg9 : memref<128x128xf32, #tpu.memory_space<vmem>>)
        "tpu.region"() ({
          %run_scoped3A = tpu.sem_alloc : memref<!tpu.dma_semaphore, #tpu.memory_space<semaphore_mem>>
          %dma_start3A_38 = arith.constant 0 : i32
          %dma_start3A_39 = arith.constant 0 : i32
          %dma_start3A_40 = tpu.memref_slice %arg10[%dma_start3A_38, %dma_start3A_39] : memref<10240x128xf32, #tpu.memory_space<vmem_shared>> -> memref<10240x128xf32, #tpu.memory_space<vmem_shared>>
          tpu.enqueue_indirect_dma source(%arg9 : memref<128x128xf32, #tpu.memory_space<vmem>>) target(%dma_start3A_40 : memref<10240x128xf32, #tpu.memory_space<vmem_shared>>) offsets(%arg8 : memref<128xi32, #tpu.memory_space<vmem>>) semaphore(%run_scoped3A : memref<!tpu.dma_semaphore, #tpu.memory_space<semaphore_mem>>) {add = true}
          %dma_wait3A_41 = arith.constant 0 : i32
          %dma_wait3A_42 = arith.constant 0 : i32
          %dma_wait3A_43 = tpu.memref_slice %arg10[%dma_wait3A_41, %dma_wait3A_42] : memref<10240x128xf32, #tpu.memory_space<vmem_shared>> -> memref<10240x128xf32, #tpu.memory_space<vmem_shared>>
          tpu.wait_indirect_dma semaphore(%run_scoped3A : memref<!tpu.dma_semaphore, #tpu.memory_space<semaphore_mem>>) src(%arg9 : memref<128x128xf32, #tpu.memory_space<vmem>>) dst(%dma_wait3A_43 : memref<10240x128xf32, #tpu.memory_space<vmem_shared>>)
          tpu.yield
        }) : () -> ()
      }
      %scan3A_25 = arith.constant 67 : i32
    } else {
    }
    %barrier3A_12 = arith.constant 0 : index
    tpu.barrier barrier_id(%barrier3A_12)
    %mul3A = arith.constant 640 : i32
    %mul3A_13 = arith.muli %arg1, %mul3A : i32
    %mul3A_14 = arith.constant 10240 : i32
    %mul3A_15 = arith.muli %arg0, %mul3A_14 : i32
    %mul3A_16 = arith.constant 640 : i32
    %mul3A_17 = arith.muli %arg1, %mul3A_16 : i32
    %add3A = arith.addi %mul3A_15, %mul3A_17 : i32
    "tpu.region"() ({
      %run_scoped3A = tpu.sem_alloc : memref<!tpu.dma_semaphore, #tpu.memory_space<semaphore_mem>>
      %dma_start3A = arith.constant 0 : i32
      %dma_start3A_18 = tpu.memref_slice %arg6[%add3A, %dma_start3A] : memref<20480x128xf32, #tpu.memory_space<hbm>> -> memref<640x128xf32, #tpu.memory_space<hbm>>
      %dma_start3A_19 = arith.constant 0 : i32
      %dma_start3A_20 = tpu.memref_slice %arg10[%mul3A_13, %dma_start3A_19] : memref<10240x128xf32, #tpu.memory_space<vmem_shared>> -> memref<640x128xf32, #tpu.memory_space<vmem_shared>>
      tpu.enqueue_dma source(%dma_start3A_20 : memref<640x128xf32, #tpu.memory_space<vmem_shared>>) target(%dma_start3A_18 : memref<640x128xf32, #tpu.memory_space<hbm>>) target_semaphore(%run_scoped3A : memref<!tpu.dma_semaphore, #tpu.memory_space<semaphore_mem>>)
      %dma_wait3A = arith.constant 0 : i32
      %dma_wait3A_21 = tpu.memref_slice %arg6[%add3A, %dma_wait3A] : memref<20480x128xf32, #tpu.memory_space<hbm>> -> memref<640x128xf32, #tpu.memory_space<hbm>>
      %dma_wait3A_22 = arith.constant 0 : i32
      %dma_wait3A_23 = tpu.memref_slice %arg10[%mul3A_13, %dma_wait3A_22] : memref<10240x128xf32, #tpu.memory_space<vmem_shared>> -> memref<640x128xf32, #tpu.memory_space<vmem_shared>>
      tpu.wait_dma2 semaphore(%run_scoped3A : memref<!tpu.dma_semaphore, #tpu.memory_space<semaphore_mem>>) src(%dma_wait3A_23 : memref<640x128xf32, #tpu.memory_space<vmem_shared>>) dst(%dma_wait3A_21 : memref<640x128xf32, #tpu.memory_space<hbm>>)
      tpu.yield
    }) : () -> ()
    return
  }
}

module attributes {stable_mosaic.version = 14 : i64} {
  func.func @_scale_body(%arg0: i32, %arg1: memref<2x8x128xf32, #tpu.memory_space<vmem>>, %arg2: memref<1024x128xf32, #tpu.memory_space<vmem>>, %arg3: memref<1024x128xf32, #tpu.memory_space<vmem>>) attributes {dimension_semantics = [#tpu.dimension_semantics<arbitrary>], iteration_bounds = array<i64: 10>, scalar_prefetch = 0 : i64, scratch_operands = 0 : i64, tpu.core_type = #tpu.core_type<tc>, window_params = [{transform_indices = @transform_0, window_bounds = array<i64: 2, 8, 128>}, {transform_indices = @transform_1, window_bounds = array<i64: 1024, 128>}, {transform_indices = @transform_2, window_bounds = array<i64: 1024, 128>}]} {
    %get3A = arith.constant 0 : index
    %get3A_0 = arith.constant 0 : index
    %get3A_1 = vector.load %arg2[%get3A, %get3A_0] : memref<1024x128xf32, #tpu.memory_space<vmem>>, vector<1024x128xf32>
    %get3A_2 = arith.constant 0 : index
    %get3A_3 = arith.constant 0 : index
    %get3A_4 = arith.constant 0 : index
    %get3A_5 = vector.load %arg1[%get3A_2, %get3A_3, %get3A_4] : memref<2x8x128xf32, #tpu.memory_space<vmem>>, vector<1x8x128xf32>
    %get3A_6 = vector.shape_cast %get3A_5 : vector<1x8x128xf32> to vector<8x128xf32>
    %get3A_7 = arith.constant 1 : index
    %get3A_8 = arith.constant 0 : index
    %get3A_9 = arith.constant 0 : index
    %get3A_10 = vector.load %arg1[%get3A_7, %get3A_8, %get3A_9] : memref<2x8x128xf32, #tpu.memory_space<vmem>>, vector<1x8x128xf32>
    %get3A_11 = vector.shape_cast %get3A_10 : vector<1x8x128xf32> to vector<8x128xf32>
    %add3A = arith.addf %get3A_6, %get3A_11 : vector<8x128xf32>
    %add3A_12 = arith.constant 1.000000e+00 : f32
    %add3A_13 = vector.broadcast %add3A_12 : f32 to vector<8x128xf32>
    %add3A_14 = arith.addf %add3A, %add3A_13 : vector<8x128xf32>
    %rsqrt3A = math.rsqrt %add3A_14 : vector<8x128xf32>
    %iota3A = tpu.iota {dimensions = array<i32: 0>} : vector<128x128xi32>
    %iota3A_15 = tpu.iota {dimensions = array<i32: 1>} : vector<128x128xi32>
    %eq3A = arith.cmpi eq, %iota3A, %iota3A_15 : vector<128x128xi32>
    %convert_element_type3A = arith.extui %eq3A : vector<128x128xi1> to vector<128x128xi32>
    %convert_element_type3A_16 = arith.sitofp %convert_element_type3A : vector<128x128xi32> to vector<128x128xf32>
    %dot_general3A = arith.constant dense<0.000000e+00> : vector<128x8xf32>
    %dot_general3A_17 = tpu.matmul %convert_element_type3A_16, %rsqrt3A, %dot_general3A {dimension_numbers = #tpu.dot_dimension_numbers<[1], [1], [0], [0], [0, 0, 1, 0], [], []>, precision = #tpu.contract_precision<fp32>, transpose_lhs_hint = false} : vector<128x128xf32>, vector<8x128xf32>, vector<128x8xf32> -> vector<128x8xf32>
    %slice3A = vector.extract_strided_slice %dot_general3A_17 {offsets = [0, 0], sizes = [128, 1], strides = [1, 1]} : vector<128x8xf32> to vector<128x1xf32>
    %broadcast_in_dim3A = vector.shape_cast %slice3A : vector<128x1xf32> to vector<128x1xf32>
    %broadcast_in_dim3A_18 = vector.broadcast %broadcast_in_dim3A : vector<128x1xf32> to vector<128x128xf32>
    %slice3A_19 = vector.extract_strided_slice %dot_general3A_17 {offsets = [0, 1], sizes = [128, 1], strides = [1, 1]} : vector<128x8xf32> to vector<128x1xf32>
    %broadcast_in_dim3A_20 = vector.shape_cast %slice3A_19 : vector<128x1xf32> to vector<128x1xf32>
    %broadcast_in_dim3A_21 = vector.broadcast %broadcast_in_dim3A_20 : vector<128x1xf32> to vector<128x128xf32>
    %slice3A_22 = vector.extract_strided_slice %dot_general3A_17 {offsets = [0, 2], sizes = [128, 1], strides = [1, 1]} : vector<128x8xf32> to vector<128x1xf32>
    %broadcast_in_dim3A_23 = vector.shape_cast %slice3A_22 : vector<128x1xf32> to vector<128x1xf32>
    %broadcast_in_dim3A_24 = vector.broadcast %broadcast_in_dim3A_23 : vector<128x1xf32> to vector<128x128xf32>
    %slice3A_25 = vector.extract_strided_slice %dot_general3A_17 {offsets = [0, 3], sizes = [128, 1], strides = [1, 1]} : vector<128x8xf32> to vector<128x1xf32>
    %broadcast_in_dim3A_26 = vector.shape_cast %slice3A_25 : vector<128x1xf32> to vector<128x1xf32>
    %broadcast_in_dim3A_27 = vector.broadcast %broadcast_in_dim3A_26 : vector<128x1xf32> to vector<128x128xf32>
    %slice3A_28 = vector.extract_strided_slice %dot_general3A_17 {offsets = [0, 4], sizes = [128, 1], strides = [1, 1]} : vector<128x8xf32> to vector<128x1xf32>
    %broadcast_in_dim3A_29 = vector.shape_cast %slice3A_28 : vector<128x1xf32> to vector<128x1xf32>
    %broadcast_in_dim3A_30 = vector.broadcast %broadcast_in_dim3A_29 : vector<128x1xf32> to vector<128x128xf32>
    %slice3A_31 = vector.extract_strided_slice %dot_general3A_17 {offsets = [0, 5], sizes = [128, 1], strides = [1, 1]} : vector<128x8xf32> to vector<128x1xf32>
    %broadcast_in_dim3A_32 = vector.shape_cast %slice3A_31 : vector<128x1xf32> to vector<128x1xf32>
    %broadcast_in_dim3A_33 = vector.broadcast %broadcast_in_dim3A_32 : vector<128x1xf32> to vector<128x128xf32>
    %slice3A_34 = vector.extract_strided_slice %dot_general3A_17 {offsets = [0, 6], sizes = [128, 1], strides = [1, 1]} : vector<128x8xf32> to vector<128x1xf32>
    %broadcast_in_dim3A_35 = vector.shape_cast %slice3A_34 : vector<128x1xf32> to vector<128x1xf32>
    %broadcast_in_dim3A_36 = vector.broadcast %broadcast_in_dim3A_35 : vector<128x1xf32> to vector<128x128xf32>
    %slice3A_37 = vector.extract_strided_slice %dot_general3A_17 {offsets = [0, 7], sizes = [128, 1], strides = [1, 1]} : vector<128x8xf32> to vector<128x1xf32>
    %broadcast_in_dim3A_38 = vector.shape_cast %slice3A_37 : vector<128x1xf32> to vector<128x1xf32>
    %broadcast_in_dim3A_39 = vector.broadcast %broadcast_in_dim3A_38 : vector<128x1xf32> to vector<128x128xf32>
    %concatenate3A = tpu.concatenate %broadcast_in_dim3A_18, %broadcast_in_dim3A_21, %broadcast_in_dim3A_24, %broadcast_in_dim3A_27, %broadcast_in_dim3A_30, %broadcast_in_dim3A_33, %broadcast_in_dim3A_36, %broadcast_in_dim3A_39 in 0 : vector<128x128xf32>, vector<128x128xf32>, vector<128x128xf32>, vector<128x128xf32>, vector<128x128xf32>, vector<128x128xf32>, vector<128x128xf32>, vector<128x128xf32> -> vector<1024x128xf32>
    %mul3A = arith.mulf %get3A_1, %concatenate3A : vector<1024x128xf32>
    %swap3A = arith.constant 0 : index
    %swap3A_40 = arith.constant 0 : index
    %swap3A_41 = vector.load %arg3[%swap3A, %swap3A_40] : memref<1024x128xf32, #tpu.memory_space<vmem>>, vector<1024x128xf32>
    tpu.vector_store %arg3[%swap3A, %swap3A_40], %mul3A {strides = array<i32>} : memref<1024x128xf32, #tpu.memory_space<vmem>>, vector<1024x128xf32>,
    return
  }
  func.func @transform_0(%arg0: i32) -> (i32, i32, i32) {
    %c0_i32 = arith.constant 0 : i32
    %c0_i32_0 = arith.constant 0 : i32
    %c0_i32_1 = arith.constant 0 : i32
    return %c0_i32, %arg0, %c0_i32_0 : i32, i32, i32
  }
  func.func @transform_1(%arg0: i32) -> (i32, i32) {
    %c0_i32 = arith.constant 0 : i32
    %c0_i32_0 = arith.constant 0 : i32
    return %arg0, %c0_i32 : i32, i32
  }
  func.func @transform_2(%arg0: i32) -> (i32, i32) {
    %c0_i32 = arith.constant 0 : i32
    %c0_i32_0 = arith.constant 0 : i32
    return %arg0, %c0_i32 : i32, i32
  }
}

module attributes {stable_mosaic.version = 14 : i64} {
  func.func @_matmul_body(%arg0: i32, %arg1: memref<1024x128xf32, #tpu.memory_space<vmem>>, %arg2: memref<128x128xf32, #tpu.memory_space<vmem>>, %arg3: memref<1024x128xf32, #tpu.memory_space<vmem>>) attributes {dimension_semantics = [#tpu.dimension_semantics<arbitrary>], iteration_bounds = array<i64: 10>, scalar_prefetch = 0 : i64, scratch_operands = 0 : i64, tpu.core_type = #tpu.core_type<tc>, window_params = [{transform_indices = @transform_0, window_bounds = array<i64: 1024, 128>}, {pipeline_mode = #tpu.pipeline_mode<synchronous>, transform_indices = @transform_1, window_bounds = array<i64: 128, 128>}, {transform_indices = @transform_2, window_bounds = array<i64: 1024, 128>}]} {
    %get3A = arith.constant 0 : index
    %get3A_0 = arith.constant 0 : index
    %get3A_1 = vector.load %arg1[%get3A, %get3A_0] : memref<1024x128xf32, #tpu.memory_space<vmem>>, vector<1024x128xf32>
    %get3A_2 = arith.constant 0 : index
    %get3A_3 = arith.constant 0 : index
    %get3A_4 = vector.load %arg2[%get3A_2, %get3A_3] : memref<128x128xf32, #tpu.memory_space<vmem>>, vector<128x128xf32>
    %dot_general3A = arith.constant dense<0.000000e+00> : vector<1024x128xf32>
    %dot_general3A_5 = tpu.matmul %get3A_1, %get3A_4, %dot_general3A {dimension_numbers = #tpu.dot_dimension_numbers<[1], [0], [0], [1], [0, 0, 1, 1], [], []>, transpose_lhs_hint = false} : vector<1024x128xf32>, vector<128x128xf32>, vector<1024x128xf32> -> vector<1024x128xf32>
    %swap3A = arith.constant 0 : index
    %swap3A_6 = arith.constant 0 : index
    %swap3A_7 = vector.load %arg3[%swap3A, %swap3A_6] : memref<1024x128xf32, #tpu.memory_space<vmem>>, vector<1024x128xf32>
    tpu.vector_store %arg3[%swap3A, %swap3A_6], %dot_general3A_5 {strides = array<i32>} : memref<1024x128xf32, #tpu.memory_space<vmem>>, vector<1024x128xf32>,
    return
  }
  func.func @transform_0(%arg0: i32) -> (i32, i32) {
    %c0_i32 = arith.constant 0 : i32
    %c0_i32_0 = arith.constant 0 : i32
    return %arg0, %c0_i32 : i32, i32
  }
  func.func @transform_1(%arg0: i32) -> (i32, i32) {
    %c0_i32 = arith.constant 0 : i32
    %c0_i32_0 = arith.constant 0 : i32
    %c0_i32_1 = arith.constant 0 : i32
    return %c0_i32, %c0_i32_0 : i32, i32
  }
  func.func @transform_2(%arg0: i32) -> (i32, i32) {
    %c0_i32 = arith.constant 0 : i32
    %c0_i32_0 = arith.constant 0 : i32
    return %arg0, %c0_i32 : i32, i32
  }
}

module attributes {stable_mosaic.version = 14 : i64} {
  func.func @_mid_body(%arg0: i32, %arg1: memref<2x8x128xf32, #tpu.memory_space<vmem>>, %arg2: memref<2x1024x128xf32, #tpu.memory_space<vmem>>, %arg3: memref<1024x128xf32, #tpu.memory_space<vmem>>, %arg4: memref<128x128xf32, #tpu.memory_space<vmem>>, %arg5: memref<1x128xf32, #tpu.memory_space<vmem>>, %arg6: memref<1024x128xf32, #tpu.memory_space<vmem>>) attributes {dimension_semantics = [#tpu.dimension_semantics<arbitrary>], iteration_bounds = array<i64: 10>, scalar_prefetch = 0 : i64, scratch_operands = 0 : i64, tpu.core_type = #tpu.core_type<tc>, window_params = [{transform_indices = @transform_0, window_bounds = array<i64: 2, 8, 128>}, {transform_indices = @transform_1, window_bounds = array<i64: 2, 1024, 128>}, {transform_indices = @transform_2, window_bounds = array<i64: 1024, 128>}, {pipeline_mode = #tpu.pipeline_mode<synchronous>, transform_indices = @transform_3, window_bounds = array<i64: 128, 128>}, {pipeline_mode = #tpu.pipeline_mode<synchronous>, transform_indices = @transform_4, window_bounds = array<i64: 1, 128>}, {transform_indices = @transform_5, window_bounds = array<i64: 1024, 128>}]} {
    %get3A = arith.constant 0 : index
    %get3A_0 = arith.constant 0 : index
    %get3A_1 = arith.constant 0 : index
    %get3A_2 = vector.load %arg1[%get3A, %get3A_0, %get3A_1] : memref<2x8x128xf32, #tpu.memory_space<vmem>>, vector<1x8x128xf32>
    %get3A_3 = vector.shape_cast %get3A_2 : vector<1x8x128xf32> to vector<8x128xf32>
    %get3A_4 = arith.constant 1 : index
    %get3A_5 = arith.constant 0 : index
    %get3A_6 = arith.constant 0 : index
    %get3A_7 = vector.load %arg1[%get3A_4, %get3A_5, %get3A_6] : memref<2x8x128xf32, #tpu.memory_space<vmem>>, vector<1x8x128xf32>
    %get3A_8 = vector.shape_cast %get3A_7 : vector<1x8x128xf32> to vector<8x128xf32>
    %add3A = arith.addf %get3A_3, %get3A_8 : vector<8x128xf32>
    %add3A_9 = arith.constant 1.000000e+00 : f32
    %add3A_10 = vector.broadcast %add3A_9 : f32 to vector<8x128xf32>
    %add3A_11 = arith.addf %add3A, %add3A_10 : vector<8x128xf32>
    %rsqrt3A = math.rsqrt %add3A_11 : vector<8x128xf32>
    %iota3A = tpu.iota {dimensions = array<i32: 0>} : vector<128x128xi32>
    %iota3A_12 = tpu.iota {dimensions = array<i32: 1>} : vector<128x128xi32>
    %eq3A = arith.cmpi eq, %iota3A, %iota3A_12 : vector<128x128xi32>
    %convert_element_type3A = arith.extui %eq3A : vector<128x128xi1> to vector<128x128xi32>
    %convert_element_type3A_13 = arith.sitofp %convert_element_type3A : vector<128x128xi32> to vector<128x128xf32>
    %dot_general3A = arith.constant dense<0.000000e+00> : vector<128x8xf32>
    %dot_general3A_14 = tpu.matmul %convert_element_type3A_13, %rsqrt3A, %dot_general3A {dimension_numbers = #tpu.dot_dimension_numbers<[1], [1], [0], [0], [0, 0, 1, 0], [], []>, precision = #tpu.contract_precision<fp32>, transpose_lhs_hint = false} : vector<128x128xf32>, vector<8x128xf32>, vector<128x8xf32> -> vector<128x8xf32>
    %slice3A = vector.extract_strided_slice %dot_general3A_14 {offsets = [0, 0], sizes = [128, 1], strides = [1, 1]} : vector<128x8xf32> to vector<128x1xf32>
    %broadcast_in_dim3A = vector.shape_cast %slice3A : vector<128x1xf32> to vector<128x1xf32>
    %broadcast_in_dim3A_15 = vector.broadcast %broadcast_in_dim3A : vector<128x1xf32> to vector<128x128xf32>
    %slice3A_16 = vector.extract_strided_slice %dot_general3A_14 {offsets = [0, 1], sizes = [128, 1], strides = [1, 1]} : vector<128x8xf32> to vector<128x1xf32>
    %broadcast_in_dim3A_17 = vector.shape_cast %slice3A_16 : vector<128x1xf32> to vector<128x1xf32>
    %broadcast_in_dim3A_18 = vector.broadcast %broadcast_in_dim3A_17 : vector<128x1xf32> to vector<128x128xf32>
    %slice3A_19 = vector.extract_strided_slice %dot_general3A_14 {offsets = [0, 2], sizes = [128, 1], strides = [1, 1]} : vector<128x8xf32> to vector<128x1xf32>
    %broadcast_in_dim3A_20 = vector.shape_cast %slice3A_19 : vector<128x1xf32> to vector<128x1xf32>
    %broadcast_in_dim3A_21 = vector.broadcast %broadcast_in_dim3A_20 : vector<128x1xf32> to vector<128x128xf32>
    %slice3A_22 = vector.extract_strided_slice %dot_general3A_14 {offsets = [0, 3], sizes = [128, 1], strides = [1, 1]} : vector<128x8xf32> to vector<128x1xf32>
    %broadcast_in_dim3A_23 = vector.shape_cast %slice3A_22 : vector<128x1xf32> to vector<128x1xf32>
    %broadcast_in_dim3A_24 = vector.broadcast %broadcast_in_dim3A_23 : vector<128x1xf32> to vector<128x128xf32>
    %slice3A_25 = vector.extract_strided_slice %dot_general3A_14 {offsets = [0, 4], sizes = [128, 1], strides = [1, 1]} : vector<128x8xf32> to vector<128x1xf32>
    %broadcast_in_dim3A_26 = vector.shape_cast %slice3A_25 : vector<128x1xf32> to vector<128x1xf32>
    %broadcast_in_dim3A_27 = vector.broadcast %broadcast_in_dim3A_26 : vector<128x1xf32> to vector<128x128xf32>
    %slice3A_28 = vector.extract_strided_slice %dot_general3A_14 {offsets = [0, 5], sizes = [128, 1], strides = [1, 1]} : vector<128x8xf32> to vector<128x1xf32>
    %broadcast_in_dim3A_29 = vector.shape_cast %slice3A_28 : vector<128x1xf32> to vector<128x1xf32>
    %broadcast_in_dim3A_30 = vector.broadcast %broadcast_in_dim3A_29 : vector<128x1xf32> to vector<128x128xf32>
    %slice3A_31 = vector.extract_strided_slice %dot_general3A_14 {offsets = [0, 6], sizes = [128, 1], strides = [1, 1]} : vector<128x8xf32> to vector<128x1xf32>
    %broadcast_in_dim3A_32 = vector.shape_cast %slice3A_31 : vector<128x1xf32> to vector<128x1xf32>
    %broadcast_in_dim3A_33 = vector.broadcast %broadcast_in_dim3A_32 : vector<128x1xf32> to vector<128x128xf32>
    %slice3A_34 = vector.extract_strided_slice %dot_general3A_14 {offsets = [0, 7], sizes = [128, 1], strides = [1, 1]} : vector<128x8xf32> to vector<128x1xf32>
    %broadcast_in_dim3A_35 = vector.shape_cast %slice3A_34 : vector<128x1xf32> to vector<128x1xf32>
    %broadcast_in_dim3A_36 = vector.broadcast %broadcast_in_dim3A_35 : vector<128x1xf32> to vector<128x128xf32>
    %concatenate3A = tpu.concatenate %broadcast_in_dim3A_15, %broadcast_in_dim3A_18, %broadcast_in_dim3A_21, %broadcast_in_dim3A_24, %broadcast_in_dim3A_27, %broadcast_in_dim3A_30, %broadcast_in_dim3A_33, %broadcast_in_dim3A_36 in 0 : vector<128x128xf32>, vector<128x128xf32>, vector<128x128xf32>, vector<128x128xf32>, vector<128x128xf32>, vector<128x128xf32>, vector<128x128xf32>, vector<128x128xf32> -> vector<1024x128xf32>
    %get3A_37 = arith.constant 0 : index
    %get3A_38 = arith.constant 0 : index
    %get3A_39 = arith.constant 0 : index
    %get3A_40 = vector.load %arg2[%get3A_37, %get3A_38, %get3A_39] : memref<2x1024x128xf32, #tpu.memory_space<vmem>>, vector<1x1024x128xf32>
    %get3A_41 = vector.shape_cast %get3A_40 : vector<1x1024x128xf32> to vector<1024x128xf32>
    %get3A_42 = arith.constant 1 : index
    %get3A_43 = arith.constant 0 : index
    %get3A_44 = arith.constant 0 : index
    %get3A_45 = vector.load %arg2[%get3A_42, %get3A_43, %get3A_44] : memref<2x1024x128xf32, #tpu.memory_space<vmem>>, vector<1x1024x128xf32>
    %get3A_46 = vector.shape_cast %get3A_45 : vector<1x1024x128xf32> to vector<1024x128xf32>
    %add3A_47 = arith.addf %get3A_41, %get3A_46 : vector<1024x128xf32>
    %get3A_48 = arith.constant 0 : index
    %get3A_49 = arith.constant 0 : index
    %get3A_50 = vector.load %arg3[%get3A_48, %get3A_49] : memref<1024x128xf32, #tpu.memory_space<vmem>>, vector<1024x128xf32>
    %add3A_51 = arith.addf %add3A_47, %get3A_50 : vector<1024x128xf32>
    %mul3A = arith.mulf %add3A_51, %concatenate3A : vector<1024x128xf32>
    %get3A_52 = arith.constant 0 : index
    %get3A_53 = arith.constant 0 : index
    %get3A_54 = vector.load %arg5[%get3A_52, %get3A_53] : memref<1x128xf32, #tpu.memory_space<vmem>>, vector<1x128xf32>
    %add3A_55 = vector.broadcast %get3A_54 : vector<1x128xf32> to vector<1024x128xf32>
    %add3A_56 = arith.addf %mul3A, %add3A_55 : vector<1024x128xf32>
    %get3A_57 = arith.constant 0 : index
    %get3A_58 = arith.constant 0 : index
    %get3A_59 = vector.load %arg4[%get3A_57, %get3A_58] : memref<128x128xf32, #tpu.memory_space<vmem>>, vector<128x128xf32>
    %dot_general3A_60 = arith.constant dense<0.000000e+00> : vector<1024x128xf32>
    %dot_general3A_61 = tpu.matmul %add3A_56, %get3A_59, %dot_general3A_60 {dimension_numbers = #tpu.dot_dimension_numbers<[1], [0], [0], [1], [0, 0, 1, 1], [], []>, transpose_lhs_hint = false} : vector<1024x128xf32>, vector<128x128xf32>, vector<1024x128xf32> -> vector<1024x128xf32>
    %mul3A_62 = arith.mulf %dot_general3A_61, %concatenate3A : vector<1024x128xf32>
    %swap3A = arith.constant 0 : index
    %swap3A_63 = arith.constant 0 : index
    %swap3A_64 = vector.load %arg6[%swap3A, %swap3A_63] : memref<1024x128xf32, #tpu.memory_space<vmem>>, vector<1024x128xf32>
    tpu.vector_store %arg6[%swap3A, %swap3A_63], %mul3A_62 {strides = array<i32>} : memref<1024x128xf32, #tpu.memory_space<vmem>>, vector<1024x128xf32>,
    return
  }
  func.func @transform_0(%arg0: i32) -> (i32, i32, i32) {
    %c0_i32 = arith.constant 0 : i32
    %c0_i32_0 = arith.constant 0 : i32
    %c0_i32_1 = arith.constant 0 : i32
    return %c0_i32, %arg0, %c0_i32_0 : i32, i32, i32
  }
  func.func @transform_1(%arg0: i32) -> (i32, i32, i32) {
    %c0_i32 = arith.constant 0 : i32
    %c0_i32_0 = arith.constant 0 : i32
    %c0_i32_1 = arith.constant 0 : i32
    return %c0_i32, %arg0, %c0_i32_0 : i32, i32, i32
  }
  func.func @transform_2(%arg0: i32) -> (i32, i32) {
    %c0_i32 = arith.constant 0 : i32
    %c0_i32_0 = arith.constant 0 : i32
    return %arg0, %c0_i32 : i32, i32
  }
  func.func @transform_3(%arg0: i32) -> (i32, i32) {
    %c0_i32 = arith.constant 0 : i32
    %c0_i32_0 = arith.constant 0 : i32
    %c0_i32_1 = arith.constant 0 : i32
    return %c0_i32, %c0_i32_0 : i32, i32
  }
  func.func @transform_4(%arg0: i32) -> (i32, i32) {
    %c0_i32 = arith.constant 0 : i32
    %c0_i32_0 = arith.constant 0 : i32
    %c0_i32_1 = arith.constant 0 : i32
    return %c0_i32, %c0_i32_0 : i32, i32
  }
  func.func @transform_5(%arg0: i32) -> (i32, i32) {
    %c0_i32 = arith.constant 0 : i32
    %c0_i32_0 = arith.constant 0 : i32
    return %arg0, %c0_i32 : i32, i32
  }
}

module attributes {stable_mosaic.version = 14 : i64} {
  func.func @_final_body(%arg0: i32, %arg1: memref<2x8x128xf32, #tpu.memory_space<vmem>>, %arg2: memref<2x1024x128xf32, #tpu.memory_space<vmem>>, %arg3: memref<1024x128xf32, #tpu.memory_space<vmem>>, %arg4: memref<1x128xf32, #tpu.memory_space<vmem>>, %arg5: memref<1024x128xf32, #tpu.memory_space<vmem>>) attributes {dimension_semantics = [#tpu.dimension_semantics<arbitrary>], iteration_bounds = array<i64: 10>, scalar_prefetch = 0 : i64, scratch_operands = 0 : i64, tpu.core_type = #tpu.core_type<tc>, window_params = [{transform_indices = @transform_0, window_bounds = array<i64: 2, 8, 128>}, {transform_indices = @transform_1, window_bounds = array<i64: 2, 1024, 128>}, {transform_indices = @transform_2, window_bounds = array<i64: 1024, 128>}, {pipeline_mode = #tpu.pipeline_mode<synchronous>, transform_indices = @transform_3, window_bounds = array<i64: 1, 128>}, {transform_indices = @transform_4, window_bounds = array<i64: 1024, 128>}]} {
    %get3A = arith.constant 0 : index
    %get3A_0 = arith.constant 0 : index
    %get3A_1 = arith.constant 0 : index
    %get3A_2 = vector.load %arg2[%get3A, %get3A_0, %get3A_1] : memref<2x1024x128xf32, #tpu.memory_space<vmem>>, vector<1x1024x128xf32>
    %get3A_3 = vector.shape_cast %get3A_2 : vector<1x1024x128xf32> to vector<1024x128xf32>
    %get3A_4 = arith.constant 1 : index
    %get3A_5 = arith.constant 0 : index
    %get3A_6 = arith.constant 0 : index
    %get3A_7 = vector.load %arg2[%get3A_4, %get3A_5, %get3A_6] : memref<2x1024x128xf32, #tpu.memory_space<vmem>>, vector<1x1024x128xf32>
    %get3A_8 = vector.shape_cast %get3A_7 : vector<1x1024x128xf32> to vector<1024x128xf32>
    %add3A = arith.addf %get3A_3, %get3A_8 : vector<1024x128xf32>
    %get3A_9 = arith.constant 0 : index
    %get3A_10 = arith.constant 0 : index
    %get3A_11 = vector.load %arg3[%get3A_9, %get3A_10] : memref<1024x128xf32, #tpu.memory_space<vmem>>, vector<1024x128xf32>
    %add3A_12 = arith.addf %add3A, %get3A_11 : vector<1024x128xf32>
    %get3A_13 = arith.constant 0 : index
    %get3A_14 = arith.constant 0 : index
    %get3A_15 = arith.constant 0 : index
    %get3A_16 = vector.load %arg1[%get3A_13, %get3A_14, %get3A_15] : memref<2x8x128xf32, #tpu.memory_space<vmem>>, vector<1x8x128xf32>
    %get3A_17 = vector.shape_cast %get3A_16 : vector<1x8x128xf32> to vector<8x128xf32>
    %get3A_18 = arith.constant 1 : index
    %get3A_19 = arith.constant 0 : index
    %get3A_20 = arith.constant 0 : index
    %get3A_21 = vector.load %arg1[%get3A_18, %get3A_19, %get3A_20] : memref<2x8x128xf32, #tpu.memory_space<vmem>>, vector<1x8x128xf32>
    %get3A_22 = vector.shape_cast %get3A_21 : vector<1x8x128xf32> to vector<8x128xf32>
    %add3A_23 = arith.addf %get3A_17, %get3A_22 : vector<8x128xf32>
    %add3A_24 = arith.constant 1.000000e+00 : f32
    %add3A_25 = vector.broadcast %add3A_24 : f32 to vector<8x128xf32>
    %add3A_26 = arith.addf %add3A_23, %add3A_25 : vector<8x128xf32>
    %rsqrt3A = math.rsqrt %add3A_26 : vector<8x128xf32>
    %iota3A = tpu.iota {dimensions = array<i32: 0>} : vector<128x128xi32>
    %iota3A_27 = tpu.iota {dimensions = array<i32: 1>} : vector<128x128xi32>
    %eq3A = arith.cmpi eq, %iota3A, %iota3A_27 : vector<128x128xi32>
    %convert_element_type3A = arith.extui %eq3A : vector<128x128xi1> to vector<128x128xi32>
    %convert_element_type3A_28 = arith.sitofp %convert_element_type3A : vector<128x128xi32> to vector<128x128xf32>
    %dot_general3A = arith.constant dense<0.000000e+00> : vector<128x8xf32>
    %dot_general3A_29 = tpu.matmul %convert_element_type3A_28, %rsqrt3A, %dot_general3A {dimension_numbers = #tpu.dot_dimension_numbers<[1], [1], [0], [0], [0, 0, 1, 0], [], []>, precision = #tpu.contract_precision<fp32>, transpose_lhs_hint = false} : vector<128x128xf32>, vector<8x128xf32>, vector<128x8xf32> -> vector<128x8xf32>
    %slice3A = vector.extract_strided_slice %dot_general3A_29 {offsets = [0, 0], sizes = [128, 1], strides = [1, 1]} : vector<128x8xf32> to vector<128x1xf32>
    %broadcast_in_dim3A = vector.shape_cast %slice3A : vector<128x1xf32> to vector<128x1xf32>
    %broadcast_in_dim3A_30 = vector.broadcast %broadcast_in_dim3A : vector<128x1xf32> to vector<128x128xf32>
    %slice3A_31 = vector.extract_strided_slice %dot_general3A_29 {offsets = [0, 1], sizes = [128, 1], strides = [1, 1]} : vector<128x8xf32> to vector<128x1xf32>
    %broadcast_in_dim3A_32 = vector.shape_cast %slice3A_31 : vector<128x1xf32> to vector<128x1xf32>
    %broadcast_in_dim3A_33 = vector.broadcast %broadcast_in_dim3A_32 : vector<128x1xf32> to vector<128x128xf32>
    %slice3A_34 = vector.extract_strided_slice %dot_general3A_29 {offsets = [0, 2], sizes = [128, 1], strides = [1, 1]} : vector<128x8xf32> to vector<128x1xf32>
    %broadcast_in_dim3A_35 = vector.shape_cast %slice3A_34 : vector<128x1xf32> to vector<128x1xf32>
    %broadcast_in_dim3A_36 = vector.broadcast %broadcast_in_dim3A_35 : vector<128x1xf32> to vector<128x128xf32>
    %slice3A_37 = vector.extract_strided_slice %dot_general3A_29 {offsets = [0, 3], sizes = [128, 1], strides = [1, 1]} : vector<128x8xf32> to vector<128x1xf32>
    %broadcast_in_dim3A_38 = vector.shape_cast %slice3A_37 : vector<128x1xf32> to vector<128x1xf32>
    %broadcast_in_dim3A_39 = vector.broadcast %broadcast_in_dim3A_38 : vector<128x1xf32> to vector<128x128xf32>
    %slice3A_40 = vector.extract_strided_slice %dot_general3A_29 {offsets = [0, 4], sizes = [128, 1], strides = [1, 1]} : vector<128x8xf32> to vector<128x1xf32>
    %broadcast_in_dim3A_41 = vector.shape_cast %slice3A_40 : vector<128x1xf32> to vector<128x1xf32>
    %broadcast_in_dim3A_42 = vector.broadcast %broadcast_in_dim3A_41 : vector<128x1xf32> to vector<128x128xf32>
    %slice3A_43 = vector.extract_strided_slice %dot_general3A_29 {offsets = [0, 5], sizes = [128, 1], strides = [1, 1]} : vector<128x8xf32> to vector<128x1xf32>
    %broadcast_in_dim3A_44 = vector.shape_cast %slice3A_43 : vector<128x1xf32> to vector<128x1xf32>
    %broadcast_in_dim3A_45 = vector.broadcast %broadcast_in_dim3A_44 : vector<128x1xf32> to vector<128x128xf32>
    %slice3A_46 = vector.extract_strided_slice %dot_general3A_29 {offsets = [0, 6], sizes = [128, 1], strides = [1, 1]} : vector<128x8xf32> to vector<128x1xf32>
    %broadcast_in_dim3A_47 = vector.shape_cast %slice3A_46 : vector<128x1xf32> to vector<128x1xf32>
    %broadcast_in_dim3A_48 = vector.broadcast %broadcast_in_dim3A_47 : vector<128x1xf32> to vector<128x128xf32>
    %slice3A_49 = vector.extract_strided_slice %dot_general3A_29 {offsets = [0, 7], sizes = [128, 1], strides = [1, 1]} : vector<128x8xf32> to vector<128x1xf32>
    %broadcast_in_dim3A_50 = vector.shape_cast %slice3A_49 : vector<128x1xf32> to vector<128x1xf32>
    %broadcast_in_dim3A_51 = vector.broadcast %broadcast_in_dim3A_50 : vector<128x1xf32> to vector<128x128xf32>
    %concatenate3A = tpu.concatenate %broadcast_in_dim3A_30, %broadcast_in_dim3A_33, %broadcast_in_dim3A_36, %broadcast_in_dim3A_39, %broadcast_in_dim3A_42, %broadcast_in_dim3A_45, %broadcast_in_dim3A_48, %broadcast_in_dim3A_51 in 0 : vector<128x128xf32>, vector<128x128xf32>, vector<128x128xf32>, vector<128x128xf32>, vector<128x128xf32>, vector<128x128xf32>, vector<128x128xf32>, vector<128x128xf32> -> vector<1024x128xf32>
    %mul3A = arith.mulf %add3A_12, %concatenate3A : vector<1024x128xf32>
    %get3A_52 = arith.constant 0 : index
    %get3A_53 = arith.constant 0 : index
    %get3A_54 = vector.load %arg4[%get3A_52, %get3A_53] : memref<1x128xf32, #tpu.memory_space<vmem>>, vector<1x128xf32>
    %add3A_55 = vector.broadcast %get3A_54 : vector<1x128xf32> to vector<1024x128xf32>
    %add3A_56 = arith.addf %mul3A, %add3A_55 : vector<1024x128xf32>
    %swap3A = arith.constant 0 : index
    %swap3A_57 = arith.constant 0 : index
    %swap3A_58 = vector.load %arg5[%swap3A, %swap3A_57] : memref<1024x128xf32, #tpu.memory_space<vmem>>, vector<1024x128xf32>
    tpu.vector_store %arg5[%swap3A, %swap3A_57], %add3A_56 {strides = array<i32>} : memref<1024x128xf32, #tpu.memory_space<vmem>>, vector<1024x128xf32>,
    return
  }
  func.func @transform_0(%arg0: i32) -> (i32, i32, i32) {
    %c0_i32 = arith.constant 0 : i32
    %c0_i32_0 = arith.constant 0 : i32
    %c0_i32_1 = arith.constant 0 : i32
    return %c0_i32, %arg0, %c0_i32_0 : i32, i32, i32
  }
  func.func @transform_1(%arg0: i32) -> (i32, i32, i32) {
    %c0_i32 = arith.constant 0 : i32
    %c0_i32_0 = arith.constant 0 : i32
    %c0_i32_1 = arith.constant 0 : i32
    return %c0_i32, %arg0, %c0_i32_0 : i32, i32, i32
  }
  func.func @transform_2(%arg0: i32) -> (i32, i32) {
    %c0_i32 = arith.constant 0 : i32
    %c0_i32_0 = arith.constant 0 : i32
    return %arg0, %c0_i32 : i32, i32
  }
  func.func @transform_3(%arg0: i32) -> (i32, i32) {
    %c0_i32 = arith.constant 0 : i32
    %c0_i32_0 = arith.constant 0 : i32
    %c0_i32_1 = arith.constant 0 : i32
    return %c0_i32, %c0_i32_0 : i32, i32
  }
  func.func @transform_4(%arg0: i32) -> (i32, i32) {
    %c0_i32 = arith.constant 0 : i32
    %c0_i32_0 = arith.constant 0 : i32
    return %arg0, %c0_i32 : i32, i32
  }
}

</mosaic_0001>

<sc_bundles>
// kernel: kernel.12.cloned.1.call-start
scs
__scs_entry_jumppad:
0x0: {  	(pc) =	sbr.rel $0x88, $3  }
0x1: {  	(tag) =	ssettag $0x0;
	lr =	simm.s32 $0x1  }
0x2: {  	[smem:$0x3F9B] =	sst lr;
	_ =	strace $0xD0000000  }
0x3: {  	_ = 	snop  }
0x4: {  	_ = 	snop  }
0x5: {  	_ = 	snop  }
0x6: {  	_ = 	snop  }
0x7: {  	_ = 	snop  }
__scs_overlays_trampoline_lowered:
0x8: {  	[smem:$0x3FAA] =	sst s0  }
0x9: {  	[smem:$0x3FAB] =	sst s1  }
0xa: {  	[smem:$0x3FAC] =	sst s2  }
0xb: {  	[smem:$0x3FAD] =	sst s3  }
0xc: {  	[smem:$0x3FAE] =	sst s4  }
0xd: {  	[smem:$0x3FAF] =	sst s5  }
0xe: {  	[smem:$0x3FB0] =	sst s6  }
0xf: {  	[smem:$0x3FB1] =	sst s7  }
0x10: {  	[smem:$0x3FB2] =	sst s8  }
0x11: {  	[smem:$0x3FB3] =	sst s9;
	s0 =	simm.s32 @!p0 $0x0  }
0x12: {  	s1 =	sld [smem:$0x3F99];
	s0 =	simm.s32 @p0 $0x1  }
0x13: {  	[smem:$0x3FB4] =	sst s0;
	s0 =	simm.s32 @!p1 $0x0  }
0x14: {  	s2 =	sld [smem:$0x3F98];
	s0 =	simm.s32 @p1 $0x1  }
0x15: {  	[smem:$0x3FB5] =	sst s0;
	s0 =	simm.s32 @!p2 $0x0  }
0x16: {  	s3 =	sld [smem:$0x3FDB];
	s0 =	simm.s32 @p2 $0x1  }
0x17: {  	s4 =	simm.s32 $0x1BF5;
	[smem:$0x3FB7] =	sst s0  }
0x18: {  	s0 =	sld [smem:$0x3F9A];
	_ =	swait.ge [sflag:s4], $0x0  }
0x19: {  	s7 =	sld [smem:$0x3F9B]  }
0x1a: {  	s8 =	sadd.s32 $0xFFFFE003, lr  }
0x1b: {  	s9 =	sadd.s32 $0xFFFFFEF7, lr;
	s5 =	simm.s32 $0xFFFFFFFF;
	p2 =	slt.u32 s8, $0xFFFFF086  }
0x1c: {  	p1 =	slt.u32 s9, $0xF7A;
	s5 =	simm.s32 @!p2 $0x0  }
0x1d: {  	s5 =	simm.s32 @p1 $0x1;
	p0 =	seq.s32 s7, s2  }
0x1e: {  	s7 =	smul.u32 @!p0 $0xF7A, s2;
	p2 =	seq.s32 @!p0 s5, $0x0  }
0x1f: {  	s9 =	smul.u32 $0xF7A, s1;
	s8 =	simm.s32 @!p0 $0x1BF5;
	p2 =	por !p2, p0  }
0x20: {  	[sflag:s8] =	ssyncset.s32 @!p0 $0xFFFFF086;
	s6 =	sadd.s32 @!p0 s3, s7;
	s7 =	simm.s32 @!p0 $0x108  }
0x21: {  	s3 =	sadd.s32 s3, s9;
	s6 =	sadd.s32 @!p0 $0x88, s6;
	s7 =	simm.s32 @p2 $0x1082  }
0x22: {  	[simem:s7], [sflag:s8] =	dma.local @!p0 [hbm:s6], $0xF7A  }
0x23: {  	s9 =	sor.u32 $0xD0000000, s2;
	s6 =	simm.s32 $0x108;
	_ =	swait.ge @!p0 [sflag:s8], $0x0  }
0x24: {  	s3 =	sadd.s32 $0x88, s3;
	s6 =	simm.s32 @!p1 $0x1082;
	[sflag:s4] =	ssyncset.s32 $0xFFFFF086  }
0x25: {  	[simem:s6], [sflag:s4] =	dma.local [hbm:s3], $0xF7A  }
0x26: {  	[smem:$0x3F9B] =	sst s1;
	(tag) =	ssettag s2;
	_ =	strace s9  }
0x27: {  	s1 =	sld [smem:$0x3FAB]  }
0x28: {  	s2 =	sld [smem:$0x3FAC]  }
0x29: {  	s4 =	sld [smem:$0x3FAE]  }
0x2a: {  	p0 =	seq.s32 s5, $0x0;
	s5 =	sld [smem:$0x3FAF]  }
0x2b: {  	s6 =	sld [smem:$0x3FB0]  }
0x2c: {  	s7 =	sld [smem:$0x3FB1]  }
0x2d: {  	s3 =	simm.s32 $0x108;
	s8 =	sld [smem:$0x3FB2]  }
0x2e: {  	s3 =	simm.s32 @!p0 $0x1082;
	s9 =	sld [smem:$0x3FB3]  }
0x2f: {  	lr =	sadd.s32 s0, s3;
	s0 =	sld [smem:$0x3FAA]  }
0x30: {  	s3 =	sld [smem:$0x3FAD]  }
0x31: {  	[smem:$0x3FB6] =	sst s10  }
0x32: {  	s10 =	sld [smem:$0x3FB4];
	_ =	sdelay $0x3  }
0x33: {  	p0 =	seq.s32 s10, $0x1;
	s10 =	sld [smem:$0x3FB6];
	_ =	sdelay $0x3  }
0x34: {  	[smem:$0x3FB6] =	sst s10  }
0x35: {  	s10 =	sld [smem:$0x3FB5];
	_ =	sdelay $0x3  }
0x36: {  	p1 =	seq.s32 s10, $0x1;
	s10 =	sld [smem:$0x3FB6];
	_ =	sdelay $0x3  }
0x37: {  	[smem:$0x3FB6] =	sst s10  }
0x38: {  	s10 =	sld [smem:$0x3FB7]  }
0x39: {  	_ = 	snop;
	(pc) =	sbr.ind lr, $3  }
0x3a: {  	_ = 	snop  }
0x3b: {  	_ = 	snop  }
0x3c: {  	p2 =	seq.s32 s10, $0x1;
	s10 =	sld [smem:$0x3FB6]  }
0x3d: {  	_ =	shalt  }
0x3e: {  	_ =	shalt  }
0x3f: {  	_ =	shalt  }
0x40: {  	_ =	shalt  }
0x41: {  	_ =	shalt  }
0x42: {  	_ =	shalt  }
0x43: {  	_ =	shalt  }
0x44: {  	_ =	shalt  }
0x45: {  	_ =	shalt  }
0x46: {  	_ =	shalt  }
0x47: {  	_ =	shalt  }
0x48: {  	_ =	shalt  }
0x49: {  	_ =	shalt  }
0x4a: {  	_ =	shalt  }
0x4b: {  	_ =	shalt  }
0x4c: {  	_ =	shalt  }
0x4d: {  	_ =	shalt  }
0x4e: {  	_ =	shalt  }
0x4f: {  	_ =	shalt  }
0x50: {  	_ =	shalt  }
0x51: {  	_ =	shalt  }
0x52: {  	_ =	shalt  }
0x53: {  	_ =	shalt  }
0x54: {  	_ =	shalt  }
0x55: {  	_ =	shalt  }
0x56: {  	_ =	shalt  }
0x57: {  	_ =	shalt  }
0x58: {  	_ =	shalt  }
0x59: {  	_ =	shalt  }
0x5a: {  	_ =	shalt  }
0x5b: {  	_ =	shalt  }
0x5c: {  	_ =	shalt  }
0x5d: {  	_ =	shalt  }
0x5e: {  	_ =	shalt  }
0x5f: {  	_ =	shalt  }
0x60: {  	_ =	shalt  }
0x61: {  	_ =	shalt  }
0x62: {  	_ =	shalt  }
0x63: {  	_ =	shalt  }
0x64: {  	_ =	shalt  }
0x65: {  	_ =	shalt  }
0x66: {  	_ =	shalt  }
0x67: {  	_ =	shalt  }
0x68: {  	_ =	shalt  }
0x69: {  	_ =	shalt  }
0x6a: {  	_ =	shalt  }
0x6b: {  	_ =	shalt  }
0x6c: {  	_ =	shalt  }
0x6d: {  	_ =	shalt  }
0x6e: {  	_ =	shalt  }
0x6f: {  	_ =	shalt  }
0x70: {  	_ =	shalt  }
0x71: {  	_ =	shalt  }
0x72: {  	_ =	shalt  }
0x73: {  	_ =	shalt  }
0x74: {  	_ =	shalt  }
0x75: {  	_ =	shalt  }
0x76: {  	_ =	shalt  }
0x77: {  	_ =	shalt  }
0x78: {  	_ =	shalt  }
0x79: {  	_ =	shalt  }
0x7a: {  	_ =	shalt  }
0x7b: {  	_ =	shalt  }
0x7c: {  	_ =	shalt  }
0x7d: {  	_ =	shalt  }
0x7e: {  	_ =	shalt  }
0x7f: {  	_ =	shalt  }
0x80: {  	_ =	shalt  }
0x81: {  	_ =	shalt  }
0x82: {  	_ =	shalt  }
0x83: {  	_ =	shalt  }
0x84: {  	_ =	shalt  }
0x85: {  	_ =	shalt  }
0x86: {  	_ =	shalt  }
0x87: {  	_ =	shalt  }
.Lfunc_end0:
.L_simem_size_0:
called_computation.1_lowered:
.L_overlay_start_0:
0x88: {  	s2 =	sld [smem:$0x3FD9]  }
0x89: {  	s3 =	sld [smem:$0x3FFE];
	_ =	sdelay $0x1  }
0x8a: {  	s1 =	srdreg.scid  }
0x8b: {  	s0 =	sand.u32 $0x1, s1  }
0x8c: {  	s17 =	sshll.u32 s0, $0xA;
	s2 =	sadd.s32 s3, s2  }
0x8d: {  	s2 =	sadd.s32 s2, s17  }
0x8e: {  	[smem:$0x3FC2] =	sst s2  }
0x8f: {  	_ = 	snop  }
0x90: {  	s2 =	sld [smem:$0x3FD0];
	(tm) =	ssettm $0x1  }
0x91: {  	s18 =	sld [smem:$0x3FFB];
	_ =	sdelay $0x3  }
0x92: {  	_ =	strace s18  }
0x93: {  	s3 =	sld [smem:$0x3FFC];
	_ =	sdelay $0x3  }
0x94: {  	_ =	strace s3  }
0x95: {  	s3 =	sld [smem:$0x3FFD];
	_ =	sdelay $0x3  }
0x96: {  	_ =	strace s3  }
0x97: {  	_ =	strace $0x8FFFFFFF  }
0x98: {  	s19 =	sld [smem:$0x3FDB];
	_ =	sdelay $0x1  }
0x99: {  	s4 =	simm.s32 $_scs_section_size  }
0x9a: {  	s5 =	simm.s32 $_size__tile_overlayer_lowered;
	s6 =	simm.s32 $_tile_overlayer_lowered  }
0x9b: {  	s22 =	simm.s32 $0x1BFF;
	s21 =	sshll.u32 s6, $0x1;
	s3 =	sadd.s32 s4, s19  }
0x9c: {  	s7 =	simm.s32 $0x0;
	s20 =	sshll.u32 s5, $0x1;
	s5 =	sadd.s32 s21, s3  }
0x9d: {  	[timem:s7], [sflag:s22] =	dma.local [hbm:s5], s20  }
0x9e: {  	_ =	swait.ge [sflag:s22], s20  }
0x9f: {  	s4 =	ssub.s32 $0x0, s20;
	[sflag:s22] =	ssyncset.done $0x0  }
0xa0: {  	[sflag:s22] =	ssyncadd.s32 s4;
	_ =	sdelay $0x1  }
0xa1: {  	s23 =	simm.s32 $0x1B8B  }
0xa2: {  	_ =	swait.ge [sflag:s23], $0x1  }
0xa3: {  	[sflag:s23] =	ssyncset.done $0x0  }
0xa4: {  	s25 =	simm.s32 $0x1B8E;
	s24 =	sld [smem:$0x3FFE];
	[sflag:s23] =	ssyncadd.s32 $0xFFFFFFFF  }
0xa5: {  	s26 =	simm.s32 $execute0_lowered;
	[smem:$0x3FD2] =	sst s25  }
0xa6: {  	s5 =	sshll.u32 s26, $0x1;
	_ =	strace $0x80000049;
	[dreg:$0x1] =	wrdreg $0xFFFFFFFF  }
0xa7: {  	s28 =	simm.s32 $_size_execute0_lowered;
	s3 =	sadd.s32 s3, s5;
	[dreg:$0x0] =	wrdreg $0x0  }
0xa8: {  	s5 =	sshll.u32 s28, $0x1;
	[dreg:$0x2] =	wrdreg s3  }
0xa9: {  	[dreg:$0x3] =	wrdreg s5  }
0xaa: {  	[dreg:$0x4] =	wrdreg $0xC0  }
0xab: {  	_ =	task [dreg:s7], $0x5FFFF  }
0xac: {  	[dreg:$0x1] =	wrdreg $0xFFFFFFFF  }
0xad: {  	[dreg:$0x0] =	wrdreg $0x60  }
0xae: {  	[dreg:$0x2] =	wrdreg s24  }
0xaf: {  	[dreg:$0x3] =	wrdreg s2  }
0xb0: {  	[dreg:$0x4] =	wrdreg $0x41000  }
0xb1: {  	[dreg:$0x5] =	wrdreg $0x9  }
0xb2: {  	_ =	task.clear_ibuf [dreg:s7], $0x6FFFF;
	_ =	strace $0x90000049  }
0xb3: {  	s29 =	simm.s32 $0x9;
	_ =	strace $0x8000004B  }
0xb4: {  	_ =	swait.ge [sflag:s29], $0x1  }
0xb5: {  	[sflag:s29] =	ssyncadd.s32 $0xFFFFFFFF  }
0xb6: {  	_ =	strace $0x9000004B  }
0xb7: {  	_ =	sfence  }
0xb8: {  	s30 =	sld [smem:$0x0];
	_ =	sdelay $0x2  }
0xb9: {  	s31 =	sshll.u32 s1, $0xD;
	s1 =	sshrl.u32 s1, $0x2  }
0xba: {  	s3 =	sand.u32 $0x4000, s31;
	s1 =	sadd.s32 s1, s30  }
0xbb: {  	s0 =	sor.u32 s3, s0;
	s1 =	sshll.u32 s1, $0x11  }
0xbc: {  	s0 =	sor.u32 s1, s0  }
0xbd: {  	s0 =	sadd.s32 $0x8F2B, s0  }
0xbe: {  	[sflag:s0] =	ssyncadd.remote.s32 $0x1  }
0xbf: {  	_ =	sfence.sel $0xFFFF  }
0xc0: {  	[dreg:$0x0] =	wrdreg $0xFFFFFFFF;
	(pc) =	sbr.abs _section_cstart, $3  }
0xc1: {  	[dreg:$0x1] =	wrdreg $0xFFFFFFFF  }
0xc2: {  	_ =	task.clear_ibuf [dreg:s7], $0x2FFFF;
	_ =	strace $0x9FFFFFFF  }
0xc3: {  	(tm) =	ssettm $0x7FFFFFFF  }
tec
execute0_lowered:
.L_overlay_start_1:
0x0: {  	(tag) =	ssettag $0x1  }
0x1: {  	s5 =	rddreg [dreg:$0x0]  }
0x2: {  	s9 =	rddreg [dreg:$0x1]  }
0x3: {  	s1 =	rddreg [dreg:$0x2];
	s2 =	srdreg.scid  }
0x4: {  	s0 =	rddreg [dreg:$0x3];
	s16 =	stileid.u32  }
0x5: {  	s13 =	simm.s32 $0x80;
	s14 =	simm.s32 $0x100;
	s7 =	smul.u32 $0x2800, s16  }
0x6: {  	s15 =	simm.s32 $0x1;
	s18 =	simm.s32 $0x0;
	s11 =	smul.u32 $0x50000, s16  }
0x7: {  	s6 =	sand.u32 $0x1, s2;
	s2 =	simm.s32 $0x0;
	s31 =	smul.u32 $0x5B0, s16  }
0x8: {  	s10 =	sadd.s32 $0x2E00, s5;
	s3 =	sadd.s32 $0xCC00, s5;
	s12 =	smul.u32 $0x430, s16  }
0x9: {  	p1 =	sne.s32 s16, $0x0;
	s16 =	sshll.u32 s16, $0x6;
	s4 =	smul.u32 $0x28000, s6  }
0xa: {  	[smem:$0x7FF] =	sst s2;
	s8 =	ssub.s32 $0x2, s6;
	p0 =	seq.s32 s6, $0x1  }
0xb: {  	s16 =	sor.u32 $0x1C02, s16;
	_ =	strace $0x8000004A;
	s29 =	sshrl.u32 s8, $0x1  }
0xc: {  	s30 =	sshrl.u32 s11, $0x2;
	s11 =	sshrl.u32 @!p1 s1, $0x3;
	s7 =	sadd.s32 s7, s4  }
.Ltmp0:
0xd: {  	s4 =	sadd.s32 $0x34C00, s5;
	s17 =	sadd.s32 s30, s1;
	(pc) =	sbr.rel .LBB2_1-.Ltmp0, $4  }
0xe: {  	s5 =	sadd.s32 s7, s5;
	s7 =	ssub.s32 s8, s29;
	s8 =	sadd.s32 s31, s10  }
0xf: {  	s10 =	sadd.s32 s12, s10;
	s17 =	sshrl.u32 s17, $0x3;
	s5 =	sadd.s32 $0x5CC00, s5  }
0x10: {  	s6 =	smax.u32 s7, $0x1;
	s7 =	sadd.s32 s31, s9;
	s9 =	sadd.s32 s12, s9  }
0x11: {  	s10 =	sadd.s32 $0x5B00, s10;
	s12 =	simm.s32 $0x2;
	s9 =	sadd.s32 $0x5B00, s9  }
.LBB2_7:
0x12: {  	s20 =	sadd.s32 s19, s10;
	[sflag:s12] =	ssyncadd.s32 $0xFFFFC000  }
0x13: {  	[tilespmem:s2], [sflag:$0x2] =	stream.linear.gather [hbm4b:s20+s2], $0x80, $0x38;
	[tilespmem:$0x18100] =	vst v63  }
0x14: {  	_ =	swait.ge [sflag:s12], $0x80  }
0x15: {  	[sflag:s12] =	ssyncset.done $0x0  }
0x16: {  	s31 =	sadd.s32 s19, s9;
	[sflag:s12] =	ssyncadd.s32 $0xFFFFFF80  }
0x17: {  	[tilespmem:s13], [sflag:$0x2] =	stream.linear.gather [hbm4b:s31+s2], $0x80, $0x38;
	[tilespmem:$0x18100] =	vst v63  }
0x18: {  	_ =	swait.ge [sflag:s12], $0x80  }
0x19: {  	[sflag:s12] =	ssyncset.done $0x0  }
0x1a: {  	[sflag:s12] =	ssyncadd.s32 $0xFFFFFF80  }
0x1b: {  	[tilespmem:s14], [sflag:$0x1] =	stream.indirect.gather [hbm4b:s3+s13], $0x80, s2, s13, $0xb8;
	[tilespmem:$0x18100] =	vst v63  }
0x1c: {  	_ =	swait.ge [sflag:s15], $0x4000  }
0x1d: {  	[sflag:s15] =	ssyncset.done $0x0  }
0x1e: {  	[sflag:s15] =	ssyncadd.s32 $0xFFFFC000  }
0x1f: {  	[spmem:s1] =	stream.indirect.scatter.add.f32 [tilespmem:s14], [sflag:$0x2], $0x80, s13, s13, $0xb8;
	[tilespmem:$0x18100] =	vst v63  }
0x20: {  	_ =	swait.ge [sflag:s12], $0x4000  }
0x21: {  	[sflag:s12] =	ssyncset.done $0x0  }
0x22: {  	[sflag:s12] =	ssyncadd.s32 $0xFFFFC000  }
.LBB2_8:
0x23: {  	s18 =	sadd.s32 $0x1, s18  }
0x24: {  	p2 =	sne.s32 s18, s6  }
.Ltmp1:
0x25: {  	[bflag:$0x0] =	sbarrier.arrive $0xFFFF;
	(pc) =	sbr.rel @!p2 .LBB2_9-.Ltmp1, $4  }
0x26: {  	[hbm:s5], [sflag:s16] =	dma.local [spmem:s17], $0x2800  }
0x27: {  	_ =	swait.ge [sflag:s12], $0x2800  }
0x28: {  	[sflag:s12] =	ssyncset.done $0x0  }
0x29: {  	[sflag:s12] =	ssyncadd.s32 $0xFFFFD800  }
.LBB2_1:
0x2a: {  	s19 =	simm.s32 @!p1 $0x1C02  }
0x2b: {  	[spmem:s11], [sflag:s19] =	dma.local @!p1 [hbm:s4], $0x28000  }
0x2c: {  	s19 =	simm.s32 @!p1 $0x2  }
.Ltmp2:
0x2d: {  	_ =	swait.ge @!p1 [sflag:s19], $0x28000;
	(pc) =	sbr.rel @!p0 .LBB2_2-.Ltmp2, $3  }
0x2e: {  	[sflag:s19] =	ssyncset.done @!p1 $0x0  }
0x2f: {  	[sflag:s19] =	ssyncadd.s32 @!p1 $0xFFFD8000  }
0x30: {  	[bflag:$0x0] =	sbarrier.arrive $0xFFFF;
	_ =	sdelay $0x1  }
0x31: {  	s19 =	sadd.s32 $0x0, s10  }
0x32: {  	[tilespmem:s2], [sflag:$0x2] =	stream.linear.gather [hbm4b:s19+s2], $0x80, $0x38;
	[tilespmem:$0x18100] =	vst v63  }
0x33: {  	_ =	swait.ge [sflag:s12], $0x80  }
0x34: {  	[sflag:s12] =	ssyncset.done $0x0  }
0x35: {  	s31 =	sadd.s32 $0x0, s9;
	[sflag:s12] =	ssyncadd.s32 $0xFFFFFF80  }
0x36: {  	[tilespmem:s13], [sflag:$0x2] =	stream.linear.gather [hbm4b:s31+s2], $0x80, $0x38;
	[tilespmem:$0x18100] =	vst v63  }
0x37: {  	_ =	swait.ge [sflag:s12], $0x80  }
0x38: {  	[sflag:s12] =	ssyncset.done $0x0  }
0x39: {  	[sflag:s12] =	ssyncadd.s32 $0xFFFFFF80  }
0x3a: {  	[tilespmem:s14], [sflag:$0x1] =	stream.indirect.gather [hbm4b:s3+s13], $0x80, s2, s13, $0xb8;
	[tilespmem:$0x18100] =	vst v63  }
0x3b: {  	_ =	swait.ge [sflag:s15], $0x4000  }
0x3c: {  	[sflag:s15] =	ssyncset.done $0x0  }
0x3d: {  	[sflag:s15] =	ssyncadd.s32 $0xFFFFC000  }
0x3e: {  	[spmem:s1] =	stream.indirect.scatter.add.f32 [tilespmem:s14], [sflag:$0x2], $0x80, s13, s13, $0xb8;
	[tilespmem:$0x18100] =	vst v63  }
0x3f: {  	_ =	swait.ge [sflag:s12], $0x4000  }
0x40: {  	s20 =	simm.s32 $0x20;
	s19 =	simm.s32 $0x10;
	[sflag:s12] =	ssyncset.done $0x0  }
.LBB2_6:
0x41: {  	s21 =	sadd.s32 s19, s10  }
0x42: {  	[sflag:s12] =	ssyncadd.s32 $0xFFFFC000;
	s22 =	smov.u32 s20;
	s23 =	sadd.s32 $0x10, s20  }
0x43: {  	[tilespmem:s2], [sflag:$0x2] =	stream.linear.gather [hbm4b:s21+s2], $0x80, $0x38;
	[tilespmem:$0x18100] =	vst v63  }
0x44: {  	p2 =	sne.s32 s20, $0x420;
	_ =	swait.ge [sflag:s12], $0x80  }
0x45: {  	[sflag:s12] =	ssyncset.done $0x0  }
0x46: {  	s20 =	sadd.s32 s19, s9;
	s19 =	smov.u32 s22;
	[sflag:s12] =	ssyncadd.s32 $0xFFFFFF80  }
0x47: {  	[tilespmem:s13], [sflag:$0x2] =	stream.linear.gather [hbm4b:s20+s2], $0x80, $0x38;
	[tilespmem:$0x18100] =	vst v63  }
0x48: {  	_ =	swait.ge [sflag:s12], $0x80  }
0x49: {  	[sflag:s12] =	ssyncset.done $0x0  }
0x4a: {  	[sflag:s12] =	ssyncadd.s32 $0xFFFFFF80  }
0x4b: {  	[tilespmem:s14], [sflag:$0x1] =	stream.indirect.gather [hbm4b:s3+s13], $0x80, s2, s13, $0xb8;
	[tilespmem:$0x18100] =	vst v63  }
0x4c: {  	_ =	swait.ge [sflag:s15], $0x4000  }
.Ltmp3:
0x4d: {  	[sflag:s15] =	ssyncset.done $0x0;
	(pc) =	sbr.rel @p2 .LBB2_6-.Ltmp3, $4  }
0x4e: {  	[sflag:s15] =	ssyncadd.s32 $0xFFFFC000  }
0x4f: {  	[spmem:s1] =	stream.indirect.scatter.add.f32 [tilespmem:s14], [sflag:$0x2], $0x80, s13, s13, $0xb8;
	[tilespmem:$0x18100] =	vst v63  }
0x50: {  	_ =	swait.ge [sflag:s12], $0x4000  }
0x51: {  	s20 =	smov.u32 s23;
	[sflag:s12] =	ssyncset.done $0x0  }
.Ltmp4:
0x52: {  	_ = 	snop;
	(pc) =	sbr.rel .LBB2_7-.Ltmp4, $1  }
0x53: {  	_ =	sdelay $0x3  }
.LBB2_2:
0x54: {  	s19 =	sadd.s32 $0x0, s8  }
0x55: {  	[tilespmem:s2], [sflag:$0x2] =	stream.linear.gather [hbm4b:s19+s2], $0x80, $0x38;
	[tilespmem:$0x18100] =	vst v63  }
0x56: {  	_ =	swait.ge [sflag:s12], $0x80  }
0x57: {  	[sflag:s12] =	ssyncset.done $0x0  }
0x58: {  	s31 =	sadd.s32 $0x0, s7;
	[sflag:s12] =	ssyncadd.s32 $0xFFFFFF80  }
0x59: {  	[tilespmem:s13], [sflag:$0x2] =	stream.linear.gather [hbm4b:s31+s2], $0x80, $0x38;
	[tilespmem:$0x18100] =	vst v63  }
0x5a: {  	_ =	swait.ge [sflag:s12], $0x80  }
0x5b: {  	[sflag:s12] =	ssyncset.done $0x0  }
0x5c: {  	[sflag:s12] =	ssyncadd.s32 $0xFFFFFF80  }
0x5d: {  	[tilespmem:s14], [sflag:$0x1] =	stream.indirect.gather [hbm4b:s3+s13], $0x80, s2, s13, $0xb8;
	[tilespmem:$0x18100] =	vst v63  }
0x5e: {  	_ =	swait.ge [sflag:s15], $0x4000  }
0x5f: {  	[sflag:s15] =	ssyncset.done $0x0  }
0x60: {  	[sflag:s15] =	ssyncadd.s32 $0xFFFFC000  }
0x61: {  	[spmem:s1] =	stream.indirect.scatter.add.f32 [tilespmem:s14], [sflag:$0x2], $0x80, s13, s13, $0xb8;
	[tilespmem:$0x18100] =	vst v63  }
0x62: {  	_ =	swait.ge [sflag:s12], $0x4000  }
0x63: {  	s20 =	simm.s32 $0x20;
	s19 =	simm.s32 $0x10;
	[sflag:s12] =	ssyncset.done $0x0  }
.LBB2_3:
0x64: {  	s21 =	sadd.s32 s19, s8  }
0x65: {  	[sflag:s12] =	ssyncadd.s32 $0xFFFFC000;
	s22 =	smov.u32 s20;
	s23 =	sadd.s32 $0x10, s20  }
0x66: {  	[tilespmem:s2], [sflag:$0x2] =	stream.linear.gather [hbm4b:s21+s2], $0x80, $0x38;
	[tilespmem:$0x18100] =	vst v63  }
0x67: {  	p2 =	seq.s32 s20, $0x5A0;
	_ =	swait.ge [sflag:s12], $0x80  }
0x68: {  	[sflag:s12] =	ssyncset.done $0x0  }
0x69: {  	s20 =	sadd.s32 s19, s7;
	s19 =	smov.u32 s22;
	[sflag:s12] =	ssyncadd.s32 $0xFFFFFF80  }
0x6a: {  	[tilespmem:s13], [sflag:$0x2] =	stream.linear.gather [hbm4b:s20+s2], $0x80, $0x38;
	[tilespmem:$0x18100] =	vst v63  }
0x6b: {  	_ =	swait.ge [sflag:s12], $0x80  }
0x6c: {  	[sflag:s12] =	ssyncset.done $0x0  }
0x6d: {  	[sflag:s12] =	ssyncadd.s32 $0xFFFFFF80  }
0x6e: {  	[tilespmem:s14], [sflag:$0x1] =	stream.indirect.gather [hbm4b:s3+s13], $0x80, s2, s13, $0xb8;
	[tilespmem:$0x18100] =	vst v63  }
0x6f: {  	_ =	swait.ge [sflag:s15], $0x4000  }
.Ltmp5:
0x70: {  	[sflag:s15] =	ssyncset.done $0x0;
	(pc) =	sbr.rel @!p2 .LBB2_3-.Ltmp5, $4  }
0x71: {  	[sflag:s15] =	ssyncadd.s32 $0xFFFFC000  }
0x72: {  	[spmem:s1] =	stream.indirect.scatter.add.f32 [tilespmem:s14], [sflag:$0x2], $0x80, s13, s13, $0xb8;
	[tilespmem:$0x18100] =	vst v63  }
0x73: {  	_ =	swait.ge [sflag:s12], $0x4000  }
0x74: {  	s20 =	smov.u32 s23;
	[sflag:s12] =	ssyncset.done $0x0  }
0x75: {  	s20 =	sadd.s32 s19, s8;
	[sflag:s12] =	ssyncadd.s32 $0xFFFFC000  }
0x76: {  	[tilespmem:s2], [sflag:$0x2] =	stream.linear.gather [hbm4b:s20+s2], $0x80, $0x38;
	[tilespmem:$0x18100] =	vst v63  }
0x77: {  	_ =	swait.ge [sflag:s12], $0x80  }
0x78: {  	[sflag:s12] =	ssyncset.done $0x0  }
0x79: {  	s31 =	sadd.s32 s19, s7;
	[sflag:s12] =	ssyncadd.s32 $0xFFFFFF80  }
0x7a: {  	[tilespmem:s13], [sflag:$0x2] =	stream.linear.gather [hbm4b:s31+s2], $0x80, $0x38;
	[tilespmem:$0x18100] =	vst v63  }
0x7b: {  	_ =	swait.ge [sflag:s12], $0x80  }
0x7c: {  	[sflag:s12] =	ssyncset.done $0x0  }
0x7d: {  	[sflag:s12] =	ssyncadd.s32 $0xFFFFFF80  }
0x7e: {  	[tilespmem:s14], [sflag:$0x1] =	stream.indirect.gather [hbm4b:s3+s13], $0x80, s2, s13, $0xb8;
	[tilespmem:$0x18100] =	vst v63  }
0x7f: {  	_ =	swait.ge [sflag:s15], $0x4000  }
0x80: {  	[sflag:s15] =	ssyncset.done $0x0  }
.Ltmp6:
0x81: {  	[sflag:s15] =	ssyncadd.s32 $0xFFFFC000;
	(pc) =	sbr.rel .LBB2_8-.Ltmp6, $4  }
0x82: {  	[spmem:s1] =	stream.indirect.scatter.add.f32 [tilespmem:s14], [sflag:$0x2], $0x80, s13, s13, $0xb8;
	[tilespmem:$0x18100] =	vst v63  }
0x83: {  	_ =	swait.ge [sflag:s12], $0x4000  }
0x84: {  	[sflag:s12] =	ssyncset.done $0x0  }
0x85: {  	[sflag:s12] =	ssyncadd.s32 $0xFFFFC000  }
.LBB2_9:
0x86: {  	_ =	sfence.sel $0x180000  }
0x87: {  	[bflag:$0x0] =	sbarrier.arrive $0xFFFF  }
0x88: {  	_ =	strace $0x9000004A  }
0x89: {  	s0 =	sadd.s32 @!p1 $0x100000, s0;
	[bflag:$0x2] =	sbarrier.arrive $0xFFFF  }
0x8a: {  	[sflag:s0] =	ssyncadd.tile.s32 @!p1 $0x1;
	_ =	shalt  }
.Lfunc_end2:
_tile_overlayer_lowered:
.L_overlay_start_2:
0x8b: {  	(tag) =	ssettag $0x2  }
0x8c: {  	s0 =	rddreg [dreg:$0x0];
	s2 =	stileid.u32  }
0x8d: {  	s1 =	rddreg [dreg:$0x1];
	p0 =	sne.s32 s2, $0x0  }
0x8e: {  	s3 =	rddreg [dreg:$0x2];
	[bflag:$0x3] =	sbarrier.arrive $0xFFFF;
	s2 =	simm.s32 @!p0 $0x1C02  }
0x8f: {  	[timem:s3], [sflag:s2] =	dma.local @!p0 [hbm:s0], s1  }
0x90: {  	s0 =	simm.s32 @!p0 $0x2  }
0x91: {  	_ =	swait.ge @!p0 [sflag:s0], s1  }
0x92: {  	s1 =	ssub.s32 @!p0 $0x0, s1;
	[sflag:s0] =	ssyncset.done @!p0 $0x0  }
0x93: {  	[sflag:s0] =	ssyncadd.s32 @!p0 s1  }
0x94: {  	[bflag:$0x3] =	sbarrier.arrive $0xFFFF  }
0x95: {  	_ =	shalt  }

// kernel: kernel.15.cloned.1.call-start
scs
__scs_entry_jumppad:
0x0: {  	(pc) =	sbr.rel $0x88, $3  }
0x1: {  	(tag) =	ssettag $0x0;
	lr =	simm.s32 $0x1  }
0x2: {  	[smem:$0x3F9B] =	sst lr;
	_ =	strace $0xD0000000  }
0x3: {  	_ = 	snop  }
0x4: {  	_ = 	snop  }
0x5: {  	_ = 	snop  }
0x6: {  	_ = 	snop  }
0x7: {  	_ = 	snop  }
__scs_overlays_trampoline_lowered:
0x8: {  	[smem:$0x3FAA] =	sst s0  }
0x9: {  	[smem:$0x3FAB] =	sst s1  }
0xa: {  	[smem:$0x3FAC] =	sst s2  }
0xb: {  	[smem:$0x3FAD] =	sst s3  }
0xc: {  	[smem:$0x3FAE] =	sst s4  }
0xd: {  	[smem:$0x3FAF] =	sst s5  }
0xe: {  	[smem:$0x3FB0] =	sst s6  }
0xf: {  	[smem:$0x3FB1] =	sst s7  }
0x10: {  	[smem:$0x3FB2] =	sst s8  }
0x11: {  	[smem:$0x3FB3] =	sst s9;
	s0 =	simm.s32 @!p0 $0x0  }
0x12: {  	s1 =	sld [smem:$0x3F99];
	s0 =	simm.s32 @p0 $0x1  }
0x13: {  	[smem:$0x3FB4] =	sst s0;
	s0 =	simm.s32 @!p1 $0x0  }
0x14: {  	s2 =	sld [smem:$0x3F98];
	s0 =	simm.s32 @p1 $0x1  }
0x15: {  	[smem:$0x3FB5] =	sst s0;
	s0 =	simm.s32 @!p2 $0x0  }
0x16: {  	s3 =	sld [smem:$0x3FDB];
	s0 =	simm.s32 @p2 $0x1  }
0x17: {  	s4 =	simm.s32 $0x1BF5;
	[smem:$0x3FB7] =	sst s0  }
0x18: {  	s0 =	sld [smem:$0x3F9A];
	_ =	swait.ge [sflag:s4], $0x0  }
0x19: {  	s7 =	sld [smem:$0x3F9B]  }
0x1a: {  	s8 =	sadd.s32 $0xFFFFE003, lr  }
0x1b: {  	s9 =	sadd.s32 $0xFFFFFEF7, lr;
	s5 =	simm.s32 $0xFFFFFFFF;
	p2 =	slt.u32 s8, $0xFFFFF086  }
0x1c: {  	p1 =	slt.u32 s9, $0xF7A;
	s5 =	simm.s32 @!p2 $0x0  }
0x1d: {  	s5 =	simm.s32 @p1 $0x1;
	p0 =	seq.s32 s7, s2  }
0x1e: {  	s7 =	smul.u32 @!p0 $0xF7A, s2;
	p2 =	seq.s32 @!p0 s5, $0x0  }
0x1f: {  	s9 =	smul.u32 $0xF7A, s1;
	s8 =	simm.s32 @!p0 $0x1BF5;
	p2 =	por !p2, p0  }
0x20: {  	[sflag:s8] =	ssyncset.s32 @!p0 $0xFFFFF086;
	s6 =	sadd.s32 @!p0 s3, s7;
	s7 =	simm.s32 @!p0 $0x108  }
0x21: {  	s3 =	sadd.s32 s3, s9;
	s6 =	sadd.s32 @!p0 $0x88, s6;
	s7 =	simm.s32 @p2 $0x1082  }
0x22: {  	[simem:s7], [sflag:s8] =	dma.local @!p0 [hbm:s6], $0xF7A  }
0x23: {  	s9 =	sor.u32 $0xD0000000, s2;
	s6 =	simm.s32 $0x108;
	_ =	swait.ge @!p0 [sflag:s8], $0x0  }
0x24: {  	s3 =	sadd.s32 $0x88, s3;
	s6 =	simm.s32 @!p1 $0x1082;
	[sflag:s4] =	ssyncset.s32 $0xFFFFF086  }
0x25: {  	[simem:s6], [sflag:s4] =	dma.local [hbm:s3], $0xF7A  }
0x26: {  	[smem:$0x3F9B] =	sst s1;
	(tag) =	ssettag s2;
	_ =	strace s9  }
0x27: {  	s1 =	sld [smem:$0x3FAB]  }
0x28: {  	s2 =	sld [smem:$0x3FAC]  }
0x29: {  	s4 =	sld [smem:$0x3FAE]  }
0x2a: {  	p0 =	seq.s32 s5, $0x0;
	s5 =	sld [smem:$0x3FAF]  }
0x2b: {  	s6 =	sld [smem:$0x3FB0]  }
0x2c: {  	s7 =	sld [smem:$0x3FB1]  }
0x2d: {  	s3 =	simm.s32 $0x108;
	s8 =	sld [smem:$0x3FB2]  }
0x2e: {  	s3 =	simm.s32 @!p0 $0x1082;
	s9 =	sld [smem:$0x3FB3]  }
0x2f: {  	lr =	sadd.s32 s0, s3;
	s0 =	sld [smem:$0x3FAA]  }
0x30: {  	s3 =	sld [smem:$0x3FAD]  }
0x31: {  	[smem:$0x3FB6] =	sst s10  }
0x32: {  	s10 =	sld [smem:$0x3FB4];
	_ =	sdelay $0x3  }
0x33: {  	p0 =	seq.s32 s10, $0x1;
	s10 =	sld [smem:$0x3FB6];
	_ =	sdelay $0x3  }
0x34: {  	[smem:$0x3FB6] =	sst s10  }
0x35: {  	s10 =	sld [smem:$0x3FB5];
	_ =	sdelay $0x3  }
0x36: {  	p1 =	seq.s32 s10, $0x1;
	s10 =	sld [smem:$0x3FB6];
	_ =	sdelay $0x3  }
0x37: {  	[smem:$0x3FB6] =	sst s10  }
0x38: {  	s10 =	sld [smem:$0x3FB7]  }
0x39: {  	_ = 	snop;
	(pc) =	sbr.ind lr, $3  }
0x3a: {  	_ = 	snop  }
0x3b: {  	_ = 	snop  }
0x3c: {  	p2 =	seq.s32 s10, $0x1;
	s10 =	sld [smem:$0x3FB6]  }
0x3d: {  	_ =	shalt  }
0x3e: {  	_ =	shalt  }
0x3f: {  	_ =	shalt  }
0x40: {  	_ =	shalt  }
0x41: {  	_ =	shalt  }
0x42: {  	_ =	shalt  }
0x43: {  	_ =	shalt  }
0x44: {  	_ =	shalt  }
0x45: {  	_ =	shalt  }
0x46: {  	_ =	shalt  }
0x47: {  	_ =	shalt  }
0x48: {  	_ =	shalt  }
0x49: {  	_ =	shalt  }
0x4a: {  	_ =	shalt  }
0x4b: {  	_ =	shalt  }
0x4c: {  	_ =	shalt  }
0x4d: {  	_ =	shalt  }
0x4e: {  	_ =	shalt  }
0x4f: {  	_ =	shalt  }
0x50: {  	_ =	shalt  }
0x51: {  	_ =	shalt  }
0x52: {  	_ =	shalt  }
0x53: {  	_ =	shalt  }
0x54: {  	_ =	shalt  }
0x55: {  	_ =	shalt  }
0x56: {  	_ =	shalt  }
0x57: {  	_ =	shalt  }
0x58: {  	_ =	shalt  }
0x59: {  	_ =	shalt  }
0x5a: {  	_ =	shalt  }
0x5b: {  	_ =	shalt  }
0x5c: {  	_ =	shalt  }
0x5d: {  	_ =	shalt  }
0x5e: {  	_ =	shalt  }
0x5f: {  	_ =	shalt  }
0x60: {  	_ =	shalt  }
0x61: {  	_ =	shalt  }
0x62: {  	_ =	shalt  }
0x63: {  	_ =	shalt  }
0x64: {  	_ =	shalt  }
0x65: {  	_ =	shalt  }
0x66: {  	_ =	shalt  }
0x67: {  	_ =	shalt  }
0x68: {  	_ =	shalt  }
0x69: {  	_ =	shalt  }
0x6a: {  	_ =	shalt  }
0x6b: {  	_ =	shalt  }
0x6c: {  	_ =	shalt  }
0x6d: {  	_ =	shalt  }
0x6e: {  	_ =	shalt  }
0x6f: {  	_ =	shalt  }
0x70: {  	_ =	shalt  }
0x71: {  	_ =	shalt  }
0x72: {  	_ =	shalt  }
0x73: {  	_ =	shalt  }
0x74: {  	_ =	shalt  }
0x75: {  	_ =	shalt  }
0x76: {  	_ =	shalt  }
0x77: {  	_ =	shalt  }
0x78: {  	_ =	shalt  }
0x79: {  	_ =	shalt  }
0x7a: {  	_ =	shalt  }
0x7b: {  	_ =	shalt  }
0x7c: {  	_ =	shalt  }
0x7d: {  	_ =	shalt  }
0x7e: {  	_ =	shalt  }
0x7f: {  	_ =	shalt  }
0x80: {  	_ =	shalt  }
0x81: {  	_ =	shalt  }
0x82: {  	_ =	shalt  }
0x83: {  	_ =	shalt  }
0x84: {  	_ =	shalt  }
0x85: {  	_ =	shalt  }
0x86: {  	_ =	shalt  }
0x87: {  	_ =	shalt  }
.Lfunc_end0:
.L_simem_size_0:
called_computation.2_lowered:
.L_overlay_start_0:
0x88: {  	s2 =	sld [smem:$0x3FD9]  }
0x89: {  	s3 =	sld [smem:$0x3FFE];
	_ =	sdelay $0x1  }
0x8a: {  	s1 =	srdreg.scid  }
0x8b: {  	s0 =	sand.u32 $0x1, s1  }
0x8c: {  	s17 =	sshll.u32 s0, $0xA;
	s2 =	sadd.s32 s3, s2  }
0x8d: {  	s2 =	sadd.s32 s2, s17  }
0x8e: {  	[smem:$0x3FC2] =	sst s2  }
0x8f: {  	_ = 	snop  }
0x90: {  	s2 =	sld [smem:$0x3FD0];
	(tm) =	ssettm $0x1  }
0x91: {  	s18 =	sld [smem:$0x3FFB];
	_ =	sdelay $0x3  }
0x92: {  	_ =	strace s18  }
0x93: {  	s3 =	sld [smem:$0x3FFC];
	_ =	sdelay $0x3  }
0x94: {  	_ =	strace s3  }
0x95: {  	s3 =	sld [smem:$0x3FFD];
	_ =	sdelay $0x3  }
0x96: {  	_ =	strace s3  }
0x97: {  	_ =	strace $0x8FFFFFFF  }
0x98: {  	s19 =	sld [smem:$0x3FDB];
	_ =	sdelay $0x1  }
0x99: {  	s4 =	simm.s32 $_scs_section_size  }
0x9a: {  	s5 =	simm.s32 $_size__tile_overlayer_lowered;
	s6 =	simm.s32 $_tile_overlayer_lowered  }
0x9b: {  	s22 =	simm.s32 $0x1BFF;
	s21 =	sshll.u32 s6, $0x1;
	s3 =	sadd.s32 s4, s19  }
0x9c: {  	s7 =	simm.s32 $0x0;
	s20 =	sshll.u32 s5, $0x1;
	s5 =	sadd.s32 s21, s3  }
0x9d: {  	[timem:s7], [sflag:s22] =	dma.local [hbm:s5], s20  }
0x9e: {  	_ =	swait.ge [sflag:s22], s20  }
0x9f: {  	s4 =	ssub.s32 $0x0, s20;
	[sflag:s22] =	ssyncset.done $0x0  }
0xa0: {  	[sflag:s22] =	ssyncadd.s32 s4;
	_ =	sdelay $0x1  }
0xa1: {  	s23 =	simm.s32 $0x1B8B  }
0xa2: {  	_ =	swait.ge [sflag:s23], $0x1  }
0xa3: {  	[sflag:s23] =	ssyncset.done $0x0  }
0xa4: {  	s25 =	simm.s32 $0x1B8E;
	s24 =	sld [smem:$0x3FFE];
	[sflag:s23] =	ssyncadd.s32 $0xFFFFFFFF  }
0xa5: {  	s26 =	simm.s32 $execute0_lowered;
	[smem:$0x3FD2] =	sst s25  }
0xa6: {  	s5 =	sshll.u32 s26, $0x1;
	_ =	strace $0x8000004C;
	[dreg:$0x1] =	wrdreg $0xFFFFFFFF  }
0xa7: {  	s28 =	simm.s32 $_size_execute0_lowered;
	s3 =	sadd.s32 s3, s5;
	[dreg:$0x0] =	wrdreg $0x0  }
0xa8: {  	s5 =	sshll.u32 s28, $0x1;
	[dreg:$0x2] =	wrdreg s3  }
0xa9: {  	[dreg:$0x3] =	wrdreg s5  }
0xaa: {  	[dreg:$0x4] =	wrdreg $0xC0  }
0xab: {  	_ =	task [dreg:s7], $0x5FFFF  }
0xac: {  	[dreg:$0x1] =	wrdreg $0xFFFFFFFF  }
0xad: {  	[dreg:$0x0] =	wrdreg $0x60  }
0xae: {  	[dreg:$0x2] =	wrdreg s24  }
0xaf: {  	[dreg:$0x3] =	wrdreg s2  }
0xb0: {  	[dreg:$0x4] =	wrdreg $0x41000  }
0xb1: {  	[dreg:$0x5] =	wrdreg $0x9  }
0xb2: {  	_ =	task.clear_ibuf [dreg:s7], $0x6FFFF;
	_ =	strace $0x9000004C  }
0xb3: {  	s29 =	simm.s32 $0x9;
	_ =	strace $0x8000004E  }
0xb4: {  	_ =	swait.ge [sflag:s29], $0x1  }
0xb5: {  	[sflag:s29] =	ssyncadd.s32 $0xFFFFFFFF  }
0xb6: {  	_ =	strace $0x9000004E  }
0xb7: {  	_ =	sfence  }
0xb8: {  	s30 =	sld [smem:$0x0];
	_ =	sdelay $0x2  }
0xb9: {  	s31 =	sshll.u32 s1, $0xD;
	s1 =	sshrl.u32 s1, $0x2  }
0xba: {  	s3 =	sand.u32 $0x4000, s31;
	s1 =	sadd.s32 s1, s30  }
0xbb: {  	s0 =	sor.u32 s3, s0;
	s1 =	sshll.u32 s1, $0x11  }
0xbc: {  	s0 =	sor.u32 s1, s0  }
0xbd: {  	s0 =	sadd.s32 $0x8F2B, s0  }
0xbe: {  	[sflag:s0] =	ssyncadd.remote.s32 $0x1  }
0xbf: {  	_ =	sfence.sel $0xFFFF  }
0xc0: {  	[dreg:$0x0] =	wrdreg $0xFFFFFFFF;
	(pc) =	sbr.abs _section_cstart, $3  }
0xc1: {  	[dreg:$0x1] =	wrdreg $0xFFFFFFFF  }
0xc2: {  	_ =	task.clear_ibuf [dreg:s7], $0x2FFFF;
	_ =	strace $0x9FFFFFFF  }
0xc3: {  	(tm) =	ssettm $0x7FFFFFFF  }
tec
execute0_lowered:
.L_overlay_start_1:
0x0: {  	(tag) =	ssettag $0x1  }
0x1: {  	s5 =	rddreg [dreg:$0x0]  }
0x2: {  	s9 =	rddreg [dreg:$0x1]  }
0x3: {  	s1 =	rddreg [dreg:$0x2];
	s2 =	srdreg.scid  }
0x4: {  	s0 =	rddreg [dreg:$0x3];
	s16 =	stileid.u32  }
0x5: {  	s13 =	simm.s32 $0x80;
	s14 =	simm.s32 $0x100;
	s7 =	smul.u32 $0x2800, s16  }
0x6: {  	s15 =	simm.s32 $0x1;
	s18 =	simm.s32 $0x0;
	s11 =	smul.u32 $0x50000, s16  }
0x7: {  	s6 =	sand.u32 $0x1, s2;
	s2 =	simm.s32 $0x0;
	s31 =	smul.u32 $0x5B0, s16  }
0x8: {  	s10 =	sadd.s32 $0x2E00, s5;
	s3 =	sadd.s32 $0xCC00, s5;
	s12 =	smul.u32 $0x430, s16  }
0x9: {  	p1 =	sne.s32 s16, $0x0;
	s16 =	sshll.u32 s16, $0x6;
	s4 =	smul.u32 $0x28000, s6  }
0xa: {  	[smem:$0x7FF] =	sst s2;
	s8 =	ssub.s32 $0x2, s6;
	p0 =	seq.s32 s6, $0x1  }
0xb: {  	s16 =	sor.u32 $0x1C02, s16;
	_ =	strace $0x8000004D;
	s29 =	sshrl.u32 s8, $0x1  }
0xc: {  	s30 =	sshrl.u32 s11, $0x2;
	s11 =	sshrl.u32 @!p1 s1, $0x3;
	s7 =	sadd.s32 s7, s4  }
.Ltmp0:
0xd: {  	s4 =	sadd.s32 $0x34C00, s5;
	s17 =	sadd.s32 s30, s1;
	(pc) =	sbr.rel .LBB2_1-.Ltmp0, $4  }
0xe: {  	s5 =	sadd.s32 s7, s5;
	s7 =	ssub.s32 s8, s29;
	s8 =	sadd.s32 s31, s10  }
0xf: {  	s10 =	sadd.s32 s12, s10;
	s17 =	sshrl.u32 s17, $0x3;
	s5 =	sadd.s32 $0x5CC00, s5  }
0x10: {  	s6 =	smax.u32 s7, $0x1;
	s7 =	sadd.s32 s31, s9;
	s9 =	sadd.s32 s12, s9  }
0x11: {  	s10 =	sadd.s32 $0x5B00, s10;
	s12 =	simm.s32 $0x2;
	s9 =	sadd.s32 $0x5B00, s9  }
.LBB2_7:
0x12: {  	s20 =	sadd.s32 s19, s10;
	[sflag:s12] =	ssyncadd.s32 $0xFFFFC000  }
0x13: {  	[tilespmem:s2], [sflag:$0x2] =	stream.linear.gather [hbm4b:s20+s2], $0x80, $0x38;
	[tilespmem:$0x18100] =	vst v63  }
0x14: {  	_ =	swait.ge [sflag:s12], $0x80  }
0x15: {  	[sflag:s12] =	ssyncset.done $0x0  }
0x16: {  	s31 =	sadd.s32 s19, s9;
	[sflag:s12] =	ssyncadd.s32 $0xFFFFFF80  }
0x17: {  	[tilespmem:s13], [sflag:$0x2] =	stream.linear.gather [hbm4b:s31+s2], $0x80, $0x38;
	[tilespmem:$0x18100] =	vst v63  }
0x18: {  	_ =	swait.ge [sflag:s12], $0x80  }
0x19: {  	[sflag:s12] =	ssyncset.done $0x0  }
0x1a: {  	[sflag:s12] =	ssyncadd.s32 $0xFFFFFF80  }
0x1b: {  	[tilespmem:s14], [sflag:$0x1] =	stream.indirect.gather [hbm4b:s3+s13], $0x80, s2, s13, $0xb8;
	[tilespmem:$0x18100] =	vst v63  }
0x1c: {  	_ =	swait.ge [sflag:s15], $0x4000  }
0x1d: {  	[sflag:s15] =	ssyncset.done $0x0  }
0x1e: {  	[sflag:s15] =	ssyncadd.s32 $0xFFFFC000  }
0x1f: {  	[spmem:s1] =	stream.indirect.scatter.add.f32 [tilespmem:s14], [sflag:$0x2], $0x80, s13, s13, $0xb8;
	[tilespmem:$0x18100] =	vst v63  }
0x20: {  	_ =	swait.ge [sflag:s12], $0x4000  }
0x21: {  	[sflag:s12] =	ssyncset.done $0x0  }
0x22: {  	[sflag:s12] =	ssyncadd.s32 $0xFFFFC000  }
.LBB2_8:
0x23: {  	s18 =	sadd.s32 $0x1, s18  }
0x24: {  	p2 =	sne.s32 s18, s6  }
.Ltmp1:
0x25: {  	[bflag:$0x0] =	sbarrier.arrive $0xFFFF;
	(pc) =	sbr.rel @!p2 .LBB2_9-.Ltmp1, $4  }
0x26: {  	[hbm:s5], [sflag:s16] =	dma.local [spmem:s17], $0x2800  }
0x27: {  	_ =	swait.ge [sflag:s12], $0x2800  }
0x28: {  	[sflag:s12] =	ssyncset.done $0x0  }
0x29: {  	[sflag:s12] =	ssyncadd.s32 $0xFFFFD800  }
.LBB2_1:
0x2a: {  	s19 =	simm.s32 @!p1 $0x1C02  }
0x2b: {  	[spmem:s11], [sflag:s19] =	dma.local @!p1 [hbm:s4], $0x28000  }
0x2c: {  	s19 =	simm.s32 @!p1 $0x2  }
.Ltmp2:
0x2d: {  	_ =	swait.ge @!p1 [sflag:s19], $0x28000;
	(pc) =	sbr.rel @!p0 .LBB2_2-.Ltmp2, $3  }
0x2e: {  	[sflag:s19] =	ssyncset.done @!p1 $0x0  }
0x2f: {  	[sflag:s19] =	ssyncadd.s32 @!p1 $0xFFFD8000  }
0x30: {  	[bflag:$0x0] =	sbarrier.arrive $0xFFFF;
	_ =	sdelay $0x1  }
0x31: {  	s19 =	sadd.s32 $0x0, s10  }
0x32: {  	[tilespmem:s2], [sflag:$0x2] =	stream.linear.gather [hbm4b:s19+s2], $0x80, $0x38;
	[tilespmem:$0x18100] =	vst v63  }
0x33: {  	_ =	swait.ge [sflag:s12], $0x80  }
0x34: {  	[sflag:s12] =	ssyncset.done $0x0  }
0x35: {  	s31 =	sadd.s32 $0x0, s9;
	[sflag:s12] =	ssyncadd.s32 $0xFFFFFF80  }
0x36: {  	[tilespmem:s13], [sflag:$0x2] =	stream.linear.gather [hbm4b:s31+s2], $0x80, $0x38;
	[tilespmem:$0x18100] =	vst v63  }
0x37: {  	_ =	swait.ge [sflag:s12], $0x80  }
0x38: {  	[sflag:s12] =	ssyncset.done $0x0  }
0x39: {  	[sflag:s12] =	ssyncadd.s32 $0xFFFFFF80  }
0x3a: {  	[tilespmem:s14], [sflag:$0x1] =	stream.indirect.gather [hbm4b:s3+s13], $0x80, s2, s13, $0xb8;
	[tilespmem:$0x18100] =	vst v63  }
0x3b: {  	_ =	swait.ge [sflag:s15], $0x4000  }
0x3c: {  	[sflag:s15] =	ssyncset.done $0x0  }
0x3d: {  	[sflag:s15] =	ssyncadd.s32 $0xFFFFC000  }
0x3e: {  	[spmem:s1] =	stream.indirect.scatter.add.f32 [tilespmem:s14], [sflag:$0x2], $0x80, s13, s13, $0xb8;
	[tilespmem:$0x18100] =	vst v63  }
0x3f: {  	_ =	swait.ge [sflag:s12], $0x4000  }
0x40: {  	s20 =	simm.s32 $0x20;
	s19 =	simm.s32 $0x10;
	[sflag:s12] =	ssyncset.done $0x0  }
.LBB2_6:
0x41: {  	s21 =	sadd.s32 s19, s10  }
0x42: {  	[sflag:s12] =	ssyncadd.s32 $0xFFFFC000;
	s22 =	smov.u32 s20;
	s23 =	sadd.s32 $0x10, s20  }
0x43: {  	[tilespmem:s2], [sflag:$0x2] =	stream.linear.gather [hbm4b:s21+s2], $0x80, $0x38;
	[tilespmem:$0x18100] =	vst v63  }
0x44: {  	p2 =	sne.s32 s20, $0x420;
	_ =	swait.ge [sflag:s12], $0x80  }
0x45: {  	[sflag:s12] =	ssyncset.done $0x0  }
0x46: {  	s20 =	sadd.s32 s19, s9;
	s19 =	smov.u32 s22;
	[sflag:s12] =	ssyncadd.s32 $0xFFFFFF80  }
0x47: {  	[tilespmem:s13], [sflag:$0x2] =	stream.linear.gather [hbm4b:s20+s2], $0x80, $0x38;
	[tilespmem:$0x18100] =	vst v63  }
0x48: {  	_ =	swait.ge [sflag:s12], $0x80  }
0x49: {  	[sflag:s12] =	ssyncset.done $0x0  }
0x4a: {  	[sflag:s12] =	ssyncadd.s32 $0xFFFFFF80  }
0x4b: {  	[tilespmem:s14], [sflag:$0x1] =	stream.indirect.gather [hbm4b:s3+s13], $0x80, s2, s13, $0xb8;
	[tilespmem:$0x18100] =	vst v63  }
0x4c: {  	_ =	swait.ge [sflag:s15], $0x4000  }
.Ltmp3:
0x4d: {  	[sflag:s15] =	ssyncset.done $0x0;
	(pc) =	sbr.rel @p2 .LBB2_6-.Ltmp3, $4  }
0x4e: {  	[sflag:s15] =	ssyncadd.s32 $0xFFFFC000  }
0x4f: {  	[spmem:s1] =	stream.indirect.scatter.add.f32 [tilespmem:s14], [sflag:$0x2], $0x80, s13, s13, $0xb8;
	[tilespmem:$0x18100] =	vst v63  }
0x50: {  	_ =	swait.ge [sflag:s12], $0x4000  }
0x51: {  	s20 =	smov.u32 s23;
	[sflag:s12] =	ssyncset.done $0x0  }
.Ltmp4:
0x52: {  	_ = 	snop;
	(pc) =	sbr.rel .LBB2_7-.Ltmp4, $1  }
0x53: {  	_ =	sdelay $0x3  }
.LBB2_2:
0x54: {  	s19 =	sadd.s32 $0x0, s8  }
0x55: {  	[tilespmem:s2], [sflag:$0x2] =	stream.linear.gather [hbm4b:s19+s2], $0x80, $0x38;
	[tilespmem:$0x18100] =	vst v63  }
0x56: {  	_ =	swait.ge [sflag:s12], $0x80  }
0x57: {  	[sflag:s12] =	ssyncset.done $0x0  }
0x58: {  	s31 =	sadd.s32 $0x0, s7;
	[sflag:s12] =	ssyncadd.s32 $0xFFFFFF80  }
0x59: {  	[tilespmem:s13], [sflag:$0x2] =	stream.linear.gather [hbm4b:s31+s2], $0x80, $0x38;
	[tilespmem:$0x18100] =	vst v63  }
0x5a: {  	_ =	swait.ge [sflag:s12], $0x80  }
0x5b: {  	[sflag:s12] =	ssyncset.done $0x0  }
0x5c: {  	[sflag:s12] =	ssyncadd.s32 $0xFFFFFF80  }
0x5d: {  	[tilespmem:s14], [sflag:$0x1] =	stream.indirect.gather [hbm4b:s3+s13], $0x80, s2, s13, $0xb8;
	[tilespmem:$0x18100] =	vst v63  }
0x5e: {  	_ =	swait.ge [sflag:s15], $0x4000  }
0x5f: {  	[sflag:s15] =	ssyncset.done $0x0  }
0x60: {  	[sflag:s15] =	ssyncadd.s32 $0xFFFFC000  }
0x61: {  	[spmem:s1] =	stream.indirect.scatter.add.f32 [tilespmem:s14], [sflag:$0x2], $0x80, s13, s13, $0xb8;
	[tilespmem:$0x18100] =	vst v63  }
0x62: {  	_ =	swait.ge [sflag:s12], $0x4000  }
0x63: {  	s20 =	simm.s32 $0x20;
	s19 =	simm.s32 $0x10;
	[sflag:s12] =	ssyncset.done $0x0  }
.LBB2_3:
0x64: {  	s21 =	sadd.s32 s19, s8  }
0x65: {  	[sflag:s12] =	ssyncadd.s32 $0xFFFFC000;
	s22 =	smov.u32 s20;
	s23 =	sadd.s32 $0x10, s20  }
0x66: {  	[tilespmem:s2], [sflag:$0x2] =	stream.linear.gather [hbm4b:s21+s2], $0x80, $0x38;
	[tilespmem:$0x18100] =	vst v63  }
0x67: {  	p2 =	seq.s32 s20, $0x5A0;
	_ =	swait.ge [sflag:s12], $0x80  }
0x68: {  	[sflag:s12] =	ssyncset.done $0x0  }
0x69: {  	s20 =	sadd.s32 s19, s7;
	s19 =	smov.u32 s22;
	[sflag:s12] =	ssyncadd.s32 $0xFFFFFF80  }
0x6a: {  	[tilespmem:s13], [sflag:$0x2] =	stream.linear.gather [hbm4b:s20+s2], $0x80, $0x38;
	[tilespmem:$0x18100] =	vst v63  }
0x6b: {  	_ =	swait.ge [sflag:s12], $0x80  }
0x6c: {  	[sflag:s12] =	ssyncset.done $0x0  }
0x6d: {  	[sflag:s12] =	ssyncadd.s32 $0xFFFFFF80  }
0x6e: {  	[tilespmem:s14], [sflag:$0x1] =	stream.indirect.gather [hbm4b:s3+s13], $0x80, s2, s13, $0xb8;
	[tilespmem:$0x18100] =	vst v63  }
0x6f: {  	_ =	swait.ge [sflag:s15], $0x4000  }
.Ltmp5:
0x70: {  	[sflag:s15] =	ssyncset.done $0x0;
	(pc) =	sbr.rel @!p2 .LBB2_3-.Ltmp5, $4  }
0x71: {  	[sflag:s15] =	ssyncadd.s32 $0xFFFFC000  }
0x72: {  	[spmem:s1] =	stream.indirect.scatter.add.f32 [tilespmem:s14], [sflag:$0x2], $0x80, s13, s13, $0xb8;
	[tilespmem:$0x18100] =	vst v63  }
0x73: {  	_ =	swait.ge [sflag:s12], $0x4000  }
0x74: {  	s20 =	smov.u32 s23;
	[sflag:s12] =	ssyncset.done $0x0  }
0x75: {  	s20 =	sadd.s32 s19, s8;
	[sflag:s12] =	ssyncadd.s32 $0xFFFFC000  }
0x76: {  	[tilespmem:s2], [sflag:$0x2] =	stream.linear.gather [hbm4b:s20+s2], $0x80, $0x38;
	[tilespmem:$0x18100] =	vst v63  }
0x77: {  	_ =	swait.ge [sflag:s12], $0x80  }
0x78: {  	[sflag:s12] =	ssyncset.done $0x0  }
0x79: {  	s31 =	sadd.s32 s19, s7;
	[sflag:s12] =	ssyncadd.s32 $0xFFFFFF80  }
0x7a: {  	[tilespmem:s13], [sflag:$0x2] =	stream.linear.gather [hbm4b:s31+s2], $0x80, $0x38;
	[tilespmem:$0x18100] =	vst v63  }
0x7b: {  	_ =	swait.ge [sflag:s12], $0x80  }
0x7c: {  	[sflag:s12] =	ssyncset.done $0x0  }
0x7d: {  	[sflag:s12] =	ssyncadd.s32 $0xFFFFFF80  }
0x7e: {  	[tilespmem:s14], [sflag:$0x1] =	stream.indirect.gather [hbm4b:s3+s13], $0x80, s2, s13, $0xb8;
	[tilespmem:$0x18100] =	vst v63  }
0x7f: {  	_ =	swait.ge [sflag:s15], $0x4000  }
0x80: {  	[sflag:s15] =	ssyncset.done $0x0  }
.Ltmp6:
0x81: {  	[sflag:s15] =	ssyncadd.s32 $0xFFFFC000;
	(pc) =	sbr.rel .LBB2_8-.Ltmp6, $4  }
0x82: {  	[spmem:s1] =	stream.indirect.scatter.add.f32 [tilespmem:s14], [sflag:$0x2], $0x80, s13, s13, $0xb8;
	[tilespmem:$0x18100] =	vst v63  }
0x83: {  	_ =	swait.ge [sflag:s12], $0x4000  }
0x84: {  	[sflag:s12] =	ssyncset.done $0x0  }
0x85: {  	[sflag:s12] =	ssyncadd.s32 $0xFFFFC000  }
.LBB2_9:
0x86: {  	_ =	sfence.sel $0x180000  }
0x87: {  	[bflag:$0x0] =	sbarrier.arrive $0xFFFF  }
0x88: {  	_ =	strace $0x9000004D  }
0x89: {  	s0 =	sadd.s32 @!p1 $0x100000, s0;
	[bflag:$0x2] =	sbarrier.arrive $0xFFFF  }
0x8a: {  	[sflag:s0] =	ssyncadd.tile.s32 @!p1 $0x1;
	_ =	shalt  }
.Lfunc_end2:
_tile_overlayer_lowered:
.L_overlay_start_2:
0x8b: {  	(tag) =	ssettag $0x2  }
0x8c: {  	s0 =	rddreg [dreg:$0x0];
	s2 =	stileid.u32  }
0x8d: {  	s1 =	rddreg [dreg:$0x1];
	p0 =	sne.s32 s2, $0x0  }
0x8e: {  	s3 =	rddreg [dreg:$0x2];
	[bflag:$0x3] =	sbarrier.arrive $0xFFFF;
	s2 =	simm.s32 @!p0 $0x1C02  }
0x8f: {  	[timem:s3], [sflag:s2] =	dma.local @!p0 [hbm:s0], s1  }
0x90: {  	s0 =	simm.s32 @!p0 $0x2  }
0x91: {  	_ =	swait.ge @!p0 [sflag:s0], s1  }
0x92: {  	s1 =	ssub.s32 @!p0 $0x0, s1;
	[sflag:s0] =	ssyncset.done @!p0 $0x0  }
0x93: {  	[sflag:s0] =	ssyncadd.s32 @!p0 s1  }
0x94: {  	[bflag:$0x3] =	sbarrier.arrive $0xFFFF  }
0x95: {  	_ =	shalt  }

// kernel: kernel.9.cloned.1.call-start
scs
__scs_entry_jumppad:
0x0: {  	(pc) =	sbr.rel $0x88, $3  }
0x1: {  	(tag) =	ssettag $0x0;
	lr =	simm.s32 $0x1  }
0x2: {  	[smem:$0x3F9B] =	sst lr;
	_ =	strace $0xD0000000  }
0x3: {  	_ = 	snop  }
0x4: {  	_ = 	snop  }
0x5: {  	_ = 	snop  }
0x6: {  	_ = 	snop  }
0x7: {  	_ = 	snop  }
__scs_overlays_trampoline_lowered:
0x8: {  	[smem:$0x3FAA] =	sst s0  }
0x9: {  	[smem:$0x3FAB] =	sst s1  }
0xa: {  	[smem:$0x3FAC] =	sst s2  }
0xb: {  	[smem:$0x3FAD] =	sst s3  }
0xc: {  	[smem:$0x3FAE] =	sst s4  }
0xd: {  	[smem:$0x3FAF] =	sst s5  }
0xe: {  	[smem:$0x3FB0] =	sst s6  }
0xf: {  	[smem:$0x3FB1] =	sst s7  }
0x10: {  	[smem:$0x3FB2] =	sst s8  }
0x11: {  	[smem:$0x3FB3] =	sst s9;
	s0 =	simm.s32 @!p0 $0x0  }
0x12: {  	s1 =	sld [smem:$0x3F99];
	s0 =	simm.s32 @p0 $0x1  }
0x13: {  	[smem:$0x3FB4] =	sst s0;
	s0 =	simm.s32 @!p1 $0x0  }
0x14: {  	s2 =	sld [smem:$0x3F98];
	s0 =	simm.s32 @p1 $0x1  }
0x15: {  	[smem:$0x3FB5] =	sst s0;
	s0 =	simm.s32 @!p2 $0x0  }
0x16: {  	s3 =	sld [smem:$0x3FDB];
	s0 =	simm.s32 @p2 $0x1  }
0x17: {  	s4 =	simm.s32 $0x1BF5;
	[smem:$0x3FB7] =	sst s0  }
0x18: {  	s0 =	sld [smem:$0x3F9A];
	_ =	swait.ge [sflag:s4], $0x0  }
0x19: {  	s7 =	sld [smem:$0x3F9B]  }
0x1a: {  	s8 =	sadd.s32 $0xFFFFE003, lr  }
0x1b: {  	s9 =	sadd.s32 $0xFFFFFEF7, lr;
	s5 =	simm.s32 $0xFFFFFFFF;
	p2 =	slt.u32 s8, $0xFFFFF086  }
0x1c: {  	p1 =	slt.u32 s9, $0xF7A;
	s5 =	simm.s32 @!p2 $0x0  }
0x1d: {  	s5 =	simm.s32 @p1 $0x1;
	p0 =	seq.s32 s7, s2  }
0x1e: {  	s7 =	smul.u32 @!p0 $0xF7A, s2;
	p2 =	seq.s32 @!p0 s5, $0x0  }
0x1f: {  	s9 =	smul.u32 $0xF7A, s1;
	s8 =	simm.s32 @!p0 $0x1BF5;
	p2 =	por !p2, p0  }
0x20: {  	[sflag:s8] =	ssyncset.s32 @!p0 $0xFFFFF086;
	s6 =	sadd.s32 @!p0 s3, s7;
	s7 =	simm.s32 @!p0 $0x108  }
0x21: {  	s3 =	sadd.s32 s3, s9;
	s6 =	sadd.s32 @!p0 $0x88, s6;
	s7 =	simm.s32 @p2 $0x1082  }
0x22: {  	[simem:s7], [sflag:s8] =	dma.local @!p0 [hbm:s6], $0xF7A  }
0x23: {  	s9 =	sor.u32 $0xD0000000, s2;
	s6 =	simm.s32 $0x108;
	_ =	swait.ge @!p0 [sflag:s8], $0x0  }
0x24: {  	s3 =	sadd.s32 $0x88, s3;
	s6 =	simm.s32 @!p1 $0x1082;
	[sflag:s4] =	ssyncset.s32 $0xFFFFF086  }
0x25: {  	[simem:s6], [sflag:s4] =	dma.local [hbm:s3], $0xF7A  }
0x26: {  	[smem:$0x3F9B] =	sst s1;
	(tag) =	ssettag s2;
	_ =	strace s9  }
0x27: {  	s1 =	sld [smem:$0x3FAB]  }
0x28: {  	s2 =	sld [smem:$0x3FAC]  }
0x29: {  	s4 =	sld [smem:$0x3FAE]  }
0x2a: {  	p0 =	seq.s32 s5, $0x0;
	s5 =	sld [smem:$0x3FAF]  }
0x2b: {  	s6 =	sld [smem:$0x3FB0]  }
0x2c: {  	s7 =	sld [smem:$0x3FB1]  }
0x2d: {  	s3 =	simm.s32 $0x108;
	s8 =	sld [smem:$0x3FB2]  }
0x2e: {  	s3 =	simm.s32 @!p0 $0x1082;
	s9 =	sld [smem:$0x3FB3]  }
0x2f: {  	lr =	sadd.s32 s0, s3;
	s0 =	sld [smem:$0x3FAA]  }
0x30: {  	s3 =	sld [smem:$0x3FAD]  }
0x31: {  	[smem:$0x3FB6] =	sst s10  }
0x32: {  	s10 =	sld [smem:$0x3FB4];
	_ =	sdelay $0x3  }
0x33: {  	p0 =	seq.s32 s10, $0x1;
	s10 =	sld [smem:$0x3FB6];
	_ =	sdelay $0x3  }
0x34: {  	[smem:$0x3FB6] =	sst s10  }
0x35: {  	s10 =	sld [smem:$0x3FB5];
	_ =	sdelay $0x3  }
0x36: {  	p1 =	seq.s32 s10, $0x1;
	s10 =	sld [smem:$0x3FB6];
	_ =	sdelay $0x3  }
0x37: {  	[smem:$0x3FB6] =	sst s10  }
0x38: {  	s10 =	sld [smem:$0x3FB7]  }
0x39: {  	_ = 	snop;
	(pc) =	sbr.ind lr, $3  }
0x3a: {  	_ = 	snop  }
0x3b: {  	_ = 	snop  }
0x3c: {  	p2 =	seq.s32 s10, $0x1;
	s10 =	sld [smem:$0x3FB6]  }
0x3d: {  	_ =	shalt  }
0x3e: {  	_ =	shalt  }
0x3f: {  	_ =	shalt  }
0x40: {  	_ =	shalt  }
0x41: {  	_ =	shalt  }
0x42: {  	_ =	shalt  }
0x43: {  	_ =	shalt  }
0x44: {  	_ =	shalt  }
0x45: {  	_ =	shalt  }
0x46: {  	_ =	shalt  }
0x47: {  	_ =	shalt  }
0x48: {  	_ =	shalt  }
0x49: {  	_ =	shalt  }
0x4a: {  	_ =	shalt  }
0x4b: {  	_ =	shalt  }
0x4c: {  	_ =	shalt  }
0x4d: {  	_ =	shalt  }
0x4e: {  	_ =	shalt  }
0x4f: {  	_ =	shalt  }
0x50: {  	_ =	shalt  }
0x51: {  	_ =	shalt  }
0x52: {  	_ =	shalt  }
0x53: {  	_ =	shalt  }
0x54: {  	_ =	shalt  }
0x55: {  	_ =	shalt  }
0x56: {  	_ =	shalt  }
0x57: {  	_ =	shalt  }
0x58: {  	_ =	shalt  }
0x59: {  	_ =	shalt  }
0x5a: {  	_ =	shalt  }
0x5b: {  	_ =	shalt  }
0x5c: {  	_ =	shalt  }
0x5d: {  	_ =	shalt  }
0x5e: {  	_ =	shalt  }
0x5f: {  	_ =	shalt  }
0x60: {  	_ =	shalt  }
0x61: {  	_ =	shalt  }
0x62: {  	_ =	shalt  }
0x63: {  	_ =	shalt  }
0x64: {  	_ =	shalt  }
0x65: {  	_ =	shalt  }
0x66: {  	_ =	shalt  }
0x67: {  	_ =	shalt  }
0x68: {  	_ =	shalt  }
0x69: {  	_ =	shalt  }
0x6a: {  	_ =	shalt  }
0x6b: {  	_ =	shalt  }
0x6c: {  	_ =	shalt  }
0x6d: {  	_ =	shalt  }
0x6e: {  	_ =	shalt  }
0x6f: {  	_ =	shalt  }
0x70: {  	_ =	shalt  }
0x71: {  	_ =	shalt  }
0x72: {  	_ =	shalt  }
0x73: {  	_ =	shalt  }
0x74: {  	_ =	shalt  }
0x75: {  	_ =	shalt  }
0x76: {  	_ =	shalt  }
0x77: {  	_ =	shalt  }
0x78: {  	_ =	shalt  }
0x79: {  	_ =	shalt  }
0x7a: {  	_ =	shalt  }
0x7b: {  	_ =	shalt  }
0x7c: {  	_ =	shalt  }
0x7d: {  	_ =	shalt  }
0x7e: {  	_ =	shalt  }
0x7f: {  	_ =	shalt  }
0x80: {  	_ =	shalt  }
0x81: {  	_ =	shalt  }
0x82: {  	_ =	shalt  }
0x83: {  	_ =	shalt  }
0x84: {  	_ =	shalt  }
0x85: {  	_ =	shalt  }
0x86: {  	_ =	shalt  }
0x87: {  	_ =	shalt  }
.Lfunc_end0:
.L_simem_size_0:
called_computation_lowered:
.L_overlay_start_0:
0x88: {  	s2 =	sld [smem:$0x3FD9]  }
0x89: {  	s3 =	sld [smem:$0x3FFE];
	_ =	sdelay $0x1  }
0x8a: {  	s1 =	srdreg.scid  }
0x8b: {  	s0 =	sand.u32 $0x1, s1  }
0x8c: {  	s17 =	sshll.u32 s0, $0xA;
	s2 =	sadd.s32 s3, s2  }
0x8d: {  	s2 =	sadd.s32 s2, s17  }
0x8e: {  	[smem:$0x3FC2] =	sst s2  }
0x8f: {  	_ = 	snop  }
0x90: {  	s2 =	sld [smem:$0x3FD0];
	(tm) =	ssettm $0x1  }
0x91: {  	s18 =	sld [smem:$0x3FFB];
	_ =	sdelay $0x3  }
0x92: {  	_ =	strace s18  }
0x93: {  	s3 =	sld [smem:$0x3FFC];
	_ =	sdelay $0x3  }
0x94: {  	_ =	strace s3  }
0x95: {  	s3 =	sld [smem:$0x3FFD];
	_ =	sdelay $0x3  }
0x96: {  	_ =	strace s3  }
0x97: {  	_ =	strace $0x8FFFFFFF  }
0x98: {  	s19 =	sld [smem:$0x3FDB];
	_ =	sdelay $0x1  }
0x99: {  	s4 =	simm.s32 $_scs_section_size  }
0x9a: {  	s5 =	simm.s32 $_size__tile_overlayer_lowered;
	s6 =	simm.s32 $_tile_overlayer_lowered  }
0x9b: {  	s22 =	simm.s32 $0x1BFF;
	s21 =	sshll.u32 s6, $0x1;
	s3 =	sadd.s32 s4, s19  }
0x9c: {  	s7 =	simm.s32 $0x0;
	s20 =	sshll.u32 s5, $0x1;
	s5 =	sadd.s32 s21, s3  }
0x9d: {  	[timem:s7], [sflag:s22] =	dma.local [hbm:s5], s20  }
0x9e: {  	_ =	swait.ge [sflag:s22], s20  }
0x9f: {  	s4 =	ssub.s32 $0x0, s20;
	[sflag:s22] =	ssyncset.done $0x0  }
0xa0: {  	[sflag:s22] =	ssyncadd.s32 s4;
	_ =	sdelay $0x1  }
0xa1: {  	s23 =	simm.s32 $0x1B8B  }
0xa2: {  	_ =	swait.ge [sflag:s23], $0x1  }
0xa3: {  	[sflag:s23] =	ssyncset.done $0x0  }
0xa4: {  	s25 =	simm.s32 $0x1B8E;
	s24 =	sld [smem:$0x3FFE];
	[sflag:s23] =	ssyncadd.s32 $0xFFFFFFFF  }
0xa5: {  	s26 =	simm.s32 $execute0_lowered;
	[smem:$0x3FD2] =	sst s25  }
0xa6: {  	s5 =	sshll.u32 s26, $0x1;
	_ =	strace $0x80000046;
	[dreg:$0x1] =	wrdreg $0xFFFFFFFF  }
0xa7: {  	s28 =	simm.s32 $_size_execute0_lowered;
	s3 =	sadd.s32 s3, s5;
	[dreg:$0x0] =	wrdreg $0x0  }
0xa8: {  	s5 =	sshll.u32 s28, $0x1;
	[dreg:$0x2] =	wrdreg s3  }
0xa9: {  	[dreg:$0x3] =	wrdreg s5  }
0xaa: {  	[dreg:$0x4] =	wrdreg $0xC0  }
0xab: {  	_ =	task [dreg:s7], $0x5FFFF  }
0xac: {  	[dreg:$0x1] =	wrdreg $0xFFFFFFFF  }
0xad: {  	[dreg:$0x0] =	wrdreg $0x60  }
0xae: {  	[dreg:$0x2] =	wrdreg s2  }
0xaf: {  	[dreg:$0x3] =	wrdreg s24  }
0xb0: {  	[dreg:$0x4] =	wrdreg $0x29000  }
0xb1: {  	[dreg:$0x5] =	wrdreg $0x9  }
0xb2: {  	_ =	task.clear_ibuf [dreg:s7], $0x6FFFF;
	_ =	strace $0x90000046  }
0xb3: {  	s29 =	simm.s32 $0x9;
	_ =	strace $0x80000048  }
0xb4: {  	_ =	swait.ge [sflag:s29], $0x1  }
0xb5: {  	[sflag:s29] =	ssyncadd.s32 $0xFFFFFFFF  }
0xb6: {  	_ =	strace $0x90000048  }
0xb7: {  	_ =	sfence  }
0xb8: {  	s30 =	sld [smem:$0x0];
	_ =	sdelay $0x2  }
0xb9: {  	s31 =	sshll.u32 s1, $0xD;
	s1 =	sshrl.u32 s1, $0x2  }
0xba: {  	s3 =	sand.u32 $0x4000, s31;
	s1 =	sadd.s32 s1, s30  }
0xbb: {  	s0 =	sor.u32 s3, s0;
	s1 =	sshll.u32 s1, $0x11  }
0xbc: {  	s0 =	sor.u32 s1, s0  }
0xbd: {  	s0 =	sadd.s32 $0x8F2B, s0  }
0xbe: {  	[sflag:s0] =	ssyncadd.remote.s32 $0x1  }
0xbf: {  	_ =	sfence.sel $0xFFFF  }
0xc0: {  	[dreg:$0x0] =	wrdreg $0xFFFFFFFF;
	(pc) =	sbr.abs _section_cstart, $3  }
0xc1: {  	[dreg:$0x1] =	wrdreg $0xFFFFFFFF  }
0xc2: {  	_ =	task.clear_ibuf [dreg:s7], $0x2FFFF;
	_ =	strace $0x9FFFFFFF  }
0xc3: {  	(tm) =	ssettm $0x7FFFFFFF  }
tec
execute0_lowered:
.L_overlay_start_1:
0x0: {  	(tag) =	ssettag $0x1  }
0x1: {  	s6 =	rddreg [dreg:$0x0]  }
0x2: {  	s5 =	rddreg [dreg:$0x1]  }
0x3: {  	s1 =	rddreg [dreg:$0x2]  }
0x4: {  	s2 =	srdreg.scid;
	s0 =	rddreg [dreg:$0x3]  }
0x5: {  	s13 =	stileid.u32;
	s11 =	simm.s32 $0x100;
	s12 =	simm.s32 $0x50  }
0x6: {  	s15 =	simm.s32 $0x0;
	s7 =	sand.u32 $0x1, s2;
	s2 =	simm.s32 $0x0  }
0x7: {  	s8 =	sshll.u32 s13, $0xA;
	s3 =	sadd.s32 $0x1C00, s5;
	s31 =	smul.u32 $0x4F0, s13  }
0x8: {  	p0 =	sne.s32 s13, $0x0;
	p1 =	sgt.u32 s13, $0x9;
	s4 =	smul.u32 $0x2800, s7  }
0x9: {  	[smem:$0x7FF] =	sst s2;
	s10 =	ssub.s32 $0x2, s7;
	s7 =	smul.u32 $0x4F00, s7  }
0xa: {  	s14 =	sadd.s32 s8, s1;
	s13 =	sshll.u32 @!p1 s13, $0x6;
	_ =	strace $0x80000047  }
0xb: {  	s30 =	sshrl.u32 s10, $0x1;
	s13 =	sor.u32 @!p1 $0x1C01, s13;
	s14 =	sshrl.u32 @!p1 s14, $0x3  }
0xc: {  	s9 =	sadd.s32 s4, s8;
	s4 =	sadd.s32 $0x1E00, s5;
	s7 =	sadd.s32 s7, s6  }
0xd: {  	s8 =	sshrl.u32 @!p0 s1, $0x3;
	s9 =	sshrl.u32 s9, $0x3;
	s7 =	sadd.s32 s31, s7  }
0xe: {  	s5 =	sadd.s32 s9, s5;
	s9 =	ssub.s32 s10, s30;
	s10 =	simm.s32 $0x1  }
0xf: {  	v0 =	vimm.f32 $1.000000000e+00;
	s5 =	sadd.s32 $0x2400, s5;
	s6 =	smax.u32 s9, $0x1;
	s9 =	simm.s32 $0x80  }
.LBB2_1:
0x10: {  	s16 =	simm.s32 @!p0 $0x1C01  }
0x11: {  	[spmem:s8], [sflag:s16] =	dma.local @!p0 [hbm:s4], $0x500  }
0x12: {  	s16 =	simm.s32 @!p0 $0x1  }
0x13: {  	_ =	swait.ge @!p0 [sflag:s16], $0x500  }
0x14: {  	[sflag:s16] =	ssyncset.done @!p0 $0x0  }
0x15: {  	[sflag:s16] =	ssyncadd.s32 @!p0 $0xFFFFFB00  }
0x16: {  	[tilespmem:s9], [sflag:$0x1] =	stream.linear.gather [hbm4b:s3+s2], $0x80, $0x38;
	[tilespmem:$0x2B80] =	vst v63  }
0x17: {  	_ =	swait.ge [sflag:s10], $0x80  }
0x18: {  	[sflag:s10] =	ssyncset.done $0x0  }
0x19: {  	[sflag:s10] =	ssyncadd.s32 $0xFFFFFF80  }
0x1a: {  	[tilespmem:s11], [sflag:$0x1] =	stream.linear.gather [hbm4b:s4+s2], $0x2800, $0x38;
	[tilespmem:$0x2B80] =	vst v63  }
0x1b: {  	_ =	swait.ge [sflag:s10], $0x2800  }
0x1c: {  	[sflag:s10] =	ssyncset.done $0x0  }
0x1d: {  	[sflag:s10] =	ssyncadd.s32 $0xFFFFD800  }
0x1e: {  	s16 =	simm.s32 $0x0;
	[bflag:$0x0] =	sbarrier.arrive $0xFFFF  }
.LBB2_2:
0x1f: {  	s17 =	sadd.s32 s16, s7  }
0x20: {  	[tilespmem:s2], [sflag:$0x1] =	stream.linear.gather [hbm4b:s17+s2], $0x80, $0x38;
	[tilespmem:$0x2B80] =	vst v63  }
0x21: {  	_ =	swait.ge [sflag:s10], $0x80  }
0x22: {  	[sflag:s10] =	ssyncset.done $0x0  }
0x23: {  	[sflag:s10] =	ssyncadd.s32 $0xFFFFFF80  }
0x24: {  	v1 =	vld [tilespmem:$0x0];
	_ =	sdelay $0x7  }
0x25: {  	[tilespmem:v1+s11+$0x0] =	vst.idx.add.f32.msk $0xffff, v0  }
0x26: {  	v1 =	vld [tilespmem:$0x10];
	_ =	sdelay $0x7  }
0x27: {  	[tilespmem:v1+s11+$0x0] =	vst.idx.add.f32.msk $0xffff, v0  }
0x28: {  	v1 =	vld [tilespmem:$0x20];
	_ =	sdelay $0x7  }
0x29: {  	[tilespmem:v1+s11+$0x0] =	vst.idx.add.f32.msk $0xffff, v0  }
0x2a: {  	v1 =	vld [tilespmem:$0x30];
	_ =	sdelay $0x7  }
0x2b: {  	[tilespmem:v1+s11+$0x0] =	vst.idx.add.f32.msk $0xffff, v0  }
0x2c: {  	v1 =	vld [tilespmem:$0x40];
	_ =	sdelay $0x7  }
0x2d: {  	[tilespmem:v1+s11+$0x0] =	vst.idx.add.f32.msk $0xffff, v0  }
0x2e: {  	v1 =	vld [tilespmem:$0x50];
	_ =	sdelay $0x7  }
0x2f: {  	[tilespmem:v1+s11+$0x0] =	vst.idx.add.f32.msk $0xffff, v0  }
0x30: {  	v1 =	vld [tilespmem:$0x60];
	_ =	sdelay $0x7  }
0x31: {  	[tilespmem:v1+s11+$0x0] =	vst.idx.add.f32.msk $0xffff, v0  }
0x32: {  	v1 =	vld [tilespmem:$0x70];
	_ =	sdelay $0x2  }
0x33: {  	p2 =	sne.s32 s16, $0x4E0  }
.Ltmp0:
0x34: {  	_ = 	snop;
	(pc) =	sbr.rel @p2 .LBB2_2-.Ltmp0, $2  }
0x35: {  	_ =	sdelay $0x2  }
0x36: {  	s16 =	sadd.s32 $0x10, s16;
	[tilespmem:v1+s11+$0x0] =	vst.idx.add.f32.msk $0xffff, v0  }
0x37: {  	[spmem:s1] =	stream.indirect.scatter.add.f32 [tilespmem:s11], [sflag:$0x1], $0x80, s9, s12, $0xb8;
	[tilespmem:$0x2B80] =	vst v63  }
0x38: {  	_ =	swait.ge [sflag:s10], $0x2800  }
0x39: {  	s15 =	sadd.s32 $0x1, s15;
	[sflag:s10] =	ssyncset.done $0x0  }
0x3a: {  	p2 =	sne.s32 s15, s6;
	[sflag:s10] =	ssyncadd.s32 $0xFFFFD800  }
.Ltmp1:
0x3b: {  	s16 =	simm.s32 @!p1 $0x1;
	[bflag:$0x0] =	sbarrier.arrive $0xFFFF;
	(pc) =	sbr.rel @p2 .LBB2_1-.Ltmp1, $4  }
0x3c: {  	[hbm:s5], [sflag:s13] =	dma.local @!p1 [spmem:s14], $0x80  }
0x3d: {  	_ =	swait.ge @!p1 [sflag:s16], $0x80  }
0x3e: {  	[sflag:s16] =	ssyncset.done @!p1 $0x0  }
0x3f: {  	[sflag:s16] =	ssyncadd.s32 @!p1 $0xFFFFFF80  }
0x40: {  	_ =	sfence.sel $0x180000  }
0x41: {  	[bflag:$0x0] =	sbarrier.arrive $0xFFFF  }
0x42: {  	_ =	strace $0x90000047  }
0x43: {  	s0 =	sadd.s32 @!p0 $0x100000, s0;
	[bflag:$0x2] =	sbarrier.arrive $0xFFFF  }
0x44: {  	[sflag:s0] =	ssyncadd.tile.s32 @!p0 $0x1;
	_ =	shalt  }
.Lfunc_end2:
_tile_overlayer_lowered:
.L_overlay_start_2:
0x45: {  	(tag) =	ssettag $0x2  }
0x46: {  	s0 =	rddreg [dreg:$0x0];
	s2 =	stileid.u32  }
0x47: {  	s1 =	rddreg [dreg:$0x1];
	p0 =	sne.s32 s2, $0x0  }
0x48: {  	s3 =	rddreg [dreg:$0x2];
	[bflag:$0x3] =	sbarrier.arrive $0xFFFF;
	s2 =	simm.s32 @!p0 $0x1C01  }
0x49: {  	[timem:s3], [sflag:s2] =	dma.local @!p0 [hbm:s0], s1  }
0x4a: {  	s0 =	simm.s32 @!p0 $0x1  }
0x4b: {  	_ =	swait.ge @!p0 [sflag:s0], s1  }
0x4c: {  	s1 =	ssub.s32 @!p0 $0x0, s1;
	[sflag:s0] =	ssyncset.done @!p0 $0x0  }
0x4d: {  	[sflag:s0] =	ssyncadd.s32 @!p0 s1  }
0x4e: {  	[bflag:$0x3] =	sbarrier.arrive $0xFFFF  }
0x4f: {  	_ =	shalt  }

</sc_bundles>
